<compile_context>
chip_gen: v7x
topology: tpu7x:2x2x1
jax: 0.10.2.dev20260603
libtpu: 0.0.44.dev20260713+nightly
codegen_flags: <defaults>
</compile_context>

<pallas_src>
import functools

import jax
import jax.numpy as jnp
from jax import lax
from jax.experimental import pallas as pl
from jax.experimental.pallas import tpu as pltpu
from jax.experimental.pallas import tpu_sc as plsc


def _sortable(bits):
    flip = jnp.full(bits.shape, 0x7FFFFFFF, jnp.int32)
    return jnp.where(bits >= 0, bits, jnp.bitwise_xor(bits, flip))


def _sc_median_build(rows, n, k):
    nw = 32
    rpw = rows // nw
    mesh = plsc.VectorSubcoreMesh(core_axis_name="c", subcore_axis_name="s")
    cap = n + 16
    nreg = 7

    @functools.partial(
        pl.kernel,
        mesh=mesh,
        compiler_params=pltpu.CompilerParams(needs_layout_passes=False),
        out_type=jax.ShapeDtypeStruct((rows,), jnp.int32),
        scratch_types=[
            pltpu.VMEM((cap,), jnp.int32),
            pltpu.VMEM((cap,), jnp.int32),
            pltpu.VMEM((nreg * 4096,), jnp.int32),
            pltpu.VMEM((rpw,), jnp.int32),
            pltpu.SemaphoreType.DMA,
            pltpu.SemaphoreType.DMA,
        ],
    )
    def sc_kernel(x_hbm, out_hbm, row_v, cand_v, hist_v, res_v,
                  sem1, sem2):
        wid = lax.axis_index("s") * 2 + lax.axis_index("c")
        lane = lax.iota(jnp.int32, 16)
        ones = jnp.ones((16,), jnp.int32)
        zeros16 = jnp.zeros((16,), jnp.int32)

        def rst(b, _):
            hist_v[pl.ds(b * 16, 16)] = zeros16
            return 0
        lax.fori_loop(0, nreg * 256, rst, 0)

        def find(r):
            def fbody(i, carry):
                acc, t, above = carry
                b = 255 - i
                cb = jnp.sum(hist_v[pl.ds(b * 16, 16)])
                hist_v[pl.ds(b * 16, 16)] = zeros16
                newacc = acc + cb
                hit = (acc < r) & (newacc >= r)
                return (newacc,
                        jnp.where(hit, b, t),
                        jnp.where(hit, acc, above))
            _, t, above = lax.fori_loop(
                0, 256, fbody,
                (jnp.int32(0), jnp.int32(0), jnp.int32(0)))
            return t, above

        def hist0_range(lo_blk, hi_blk):
            def hbody(i, _):
                bns = []
                for u in range(8):
                    v = row_v[pl.ds((i * 8 + u) * 16, 16)]
                    s = _sortable(v)
                    bns.append((s >> 24) + 128)
                for u in range(8):
                    plsc.addupdate_scatter(
                        hist_v, [(u % nreg) * 4096 + bns[u] * 16 + lane],
                        ones)
                return 0
            lax.fori_loop(lo_blk, hi_blk, hbody, 0)

        def level0(r):
            def rbody(q, _):
                hs = [hist_v[pl.ds(g * 4096 + q * 16, 16)]
                      for g in range(nreg)]
                acc = ((hs[0] + hs[1]) + (hs[2] + hs[3])
                       + ((hs[4] + hs[5]) + hs[6]))
                for g in range(1, nreg):
                    hist_v[pl.ds(g * 4096 + q * 16, 16)] = zeros16
                hist_v[pl.ds(q * 16, 16)] = acc
                return 0
            lax.fori_loop(0, 256, rbody, 0)

            t, above = find(r)

            def cbody(i, off):
                ss, sels = [], []
                for u in range(8):
                    v = row_v[pl.ds((i * 8 + u) * 16, 16)]
                    s = _sortable(v)
                    ss.append(s)
                    sels.append(((s >> 24) + 128) == t)
                pcs = [jnp.sum(sel.astype(jnp.int32)) for sel in sels]
                for u in range(8):
                    plsc.store_compressed(
                        cand_v.at[pl.ds(off, 16)], ss[u], mask=sels[u])
                    off = off + pcs[u]
                return off
            m2 = lax.fori_loop(0, n // 128, cbody, jnp.int32(0))
            return m2, r - above, t

        def level(src_ref, dst_ref, m, r, lvl):
            shift = 24 - 8 * lvl
            nv = (m + 15) // 16

            def keybin(i):
                s = src_ref[pl.ds(i * 16, 16)]
                return s, (s >> shift) & 0xFF

            def hbody(i, _):
                _, bn = keybin(i)
                plsc.addupdate_scatter(
                    hist_v, [bn * 16 + lane], ones,
                    mask=(i * 16 + lane) < m)
                return 0
            lax.fori_loop(0, nv, hbody, 0)

            t, above = find(r)

            if lvl < 3:
                def cbody(i, off):
                    s, bn = keybin(i)
                    sel = (bn == t) & ((i * 16 + lane) < m)
                    plsc.store_compressed(
                        dst_ref.at[pl.ds(off, 16)], s, mask=sel)
                    return off + jnp.sum(sel.astype(jnp.int32))
                m2 = lax.fori_loop(0, nv, cbody, jnp.int32(0))
            else:
                m2 = m
            return m2, r - above, t

        def emit_result(j, s_ans):
            plsc.store_scatter(
                res_v, [jnp.broadcast_to(j, (16,))],
                jnp.broadcast_to(s_ans, (16,)), mask=(lane == 0))

        def do_row(j, _):
            row = wid * rpw + j
            half = n // 2
            c1 = pltpu.async_copy(
                x_hbm.at[row, pl.ds(0, half)],
                row_v.at[pl.ds(0, half)], sem1)
            c2 = pltpu.async_copy(
                x_hbm.at[row, pl.ds(half, half)],
                row_v.at[pl.ds(half, half)], sem2)
            c1.wait()
            hist0_range(0, n // 256)
            c2.wait()
            hist0_range(n // 256, n // 128)
            m1, r1, t0 = level0(jnp.int32(k))

            @pl.when(m1 <= 16)
            def _():
                keys = cand_v[pl.ds(0, 16)]
                pad = jnp.full((16,), -(2 ** 31), jnp.int32)
                keys = jnp.where(lane < m1, keys, pad)
                sk, _ = plsc.sort_key_val(keys, keys, descending=True)
                s_ans = jnp.sum(jnp.where(lane == r1 - 1, sk, 0))
                emit_result(j, s_ans)

            @pl.when(m1 > 16)
            def _():
                m2, r2, t1 = level(cand_v, row_v, m1, r1, 1)
                m3, r3, t2 = level(row_v, cand_v, m2, r2, 2)
                _, _, t3 = level(cand_v, row_v, m3, r3, 3)
                s_ans = ((t0 - 128) << 24) | (t1 << 16) | (t2 << 8) | t3
                emit_result(j, s_ans)
            return 0
        lax.fori_loop(0, rpw, do_row, 0)
        pltpu.sync_copy(res_v, out_hbm.at[pl.ds(wid * rpw, rpw)])

    return sc_kernel


def _dense_body(s_ref, w_ref, b_ref, o_ref):
    med = lax.bitcast_convert_type(_sortable(s_ref[...]), jnp.float32)
    o_ref[...] = (
        jnp.dot(med, w_ref[...], preferred_element_type=jnp.float32)
        + b_ref[...]
    )


def kernel(x, W, b):
    B, C, H, Wsp = x.shape
    n = H * Wsp
    k = n // 2
    rows = B * C
    xi = lax.bitcast_convert_type(x.reshape(rows, n), jnp.int32)

    s_med = _sc_median_build(rows, n, k)(xi)

    out = pl.pallas_call(
        _dense_body,
        out_shape=jax.ShapeDtypeStruct((B, W.shape[0]), jnp.float32),
    )(s_med.reshape(B, C), W.T, b.reshape(1, -1))
    return out

# --- scband reference (transcript-rebuilt; emitter-appended) ---
"""Pipeline reference for scband-gmed-pblock-6193342841104 (READ-ONLY COPY).

The authoritative reference and input builder live on the scoring server;
editing this copy changes nothing except your own understanding.
"""

import jax, jax.numpy as jnp
import numpy as np


def setup_inputs(seed: int = 0) -> dict:
    key = jax.random.key(seed)
    k1, k2, k3 = jax.random.split(key, 3)
    x = jax.random.normal(k1, (16, 96, 224, 224), dtype=jnp.float32)
    W = jax.random.normal(k2, (1000, 96), dtype=jnp.float32) * 0.02
    b = jax.random.normal(k3, (1000,), dtype=jnp.float32) * 0.02
    return {"x": x, "W": W, "b": b}


def reference(x, W, b):
    # x: [B, C, H, W] -> flatten spatial dims
    B = x.shape[0]
    C = x.shape[1]
    xf = x.reshape(B, C, -1)
    N = xf.shape[2]
    k = int(N // 2)
    # top-k over spatial dim, take the k-th largest value (approx upper-median pooling)
    topv, _ = jax.lax.top_k(xf, k)
    med = topv[:, :, -1]  # [B, C]
    # dense: Linear(in_features=C, out_features=num_classes)
    out = med @ W.T + b
    return out

if __name__ == "__main__":
    import jax
    _d = setup_inputs()
    print(jax.jit(kernel)(*tuple(_d.values())))

</pallas_src>

<mosaic_0001>
#map = affine_map<(d0, d1) -> (0, 0)>
#map1 = affine_map<(d0, d1) -> (0)>
module attributes {stable_mosaic.version = 14 : i64} {
  func.func @sc_kernel(%arg0: i32, %arg1: i32, %arg2: memref<1536x50176xi32, #tpu.memory_space<hbm>>, %arg3: memref<1536xi32, #tpu.memory_space<hbm>>, %arg4: memref<50192xi32, #tpu.memory_space<vmem>>, %arg5: memref<50192xi32, #tpu.memory_space<vmem>>, %arg6: memref<28672xi32, #tpu.memory_space<vmem>>, %arg7: memref<48xi32, #tpu.memory_space<vmem>>, %arg8: memref<!tpu.dma_semaphore, #tpu.memory_space<semaphore_mem>>, %arg9: memref<!tpu.dma_semaphore, #tpu.memory_space<semaphore_mem>>) attributes {dimension_semantics = [#tpu.dimension_semantics<core_parallel>, #tpu.dimension_semantics<subcore_parallel>], iteration_bounds = array<i64: 2, 16>, scalar_prefetch = 0 : i64, scratch_operands = 6 : i64, tpu.core_type = #tpu.core_type<sc_vector_subcore>, window_params = [{transform_indices = #map}, {transform_indices = #map1}]} {
    %mul3A = arith.constant 2 : i32
    %mul3A_0 = arith.muli %arg1, %mul3A : i32
    %add3A = arith.addi %mul3A_0, %arg0 : i32
    %iota3A = tpu.iota {dimensions = array<i32: 0>} : vector<16xi32>
    %broadcast_in_dim3A = arith.constant 1 : i32
    %broadcast_in_dim3A_1 = vector.broadcast %broadcast_in_dim3A : i32 to vector<16xi32>
    %broadcast_in_dim3A_2 = arith.constant 0 : i32
    %broadcast_in_dim3A_3 = vector.broadcast %broadcast_in_dim3A_2 : i32 to vector<16xi32>
    %scan3A = arith.constant 0 : i32
    %scan3A_4 = arith.constant 0 : i32
    %scan3A_5 = arith.constant 1792 : i32
    %scan3A_6 = arith.addi %scan3A_4, %scan3A_5 : i32
    %scan3A_7 = arith.constant 1 : i32
    %scan3A_8 = scf.for %scan3A_19 = %scan3A_4 to %scan3A_6 step %scan3A_7 iter_args(%scan3A_20 = %scan3A) -> (i32)  : i32 {
      %mul3A_21 = arith.constant 16 : i32
      %mul3A_22 = arith.muli %scan3A_19, %mul3A_21 : i32
      %swap3A = arith.index_cast %mul3A_22 : i32 to index
      %swap3A_23 = tpu.vector_load %arg6[%swap3A] {strides = array<i32>} : memref<28672xi32, #tpu.memory_space<vmem>>, vector<16xi32>,
      tpu.vector_store %arg6[%swap3A], %broadcast_in_dim3A_3 {strides = array<i32>} : memref<28672xi32, #tpu.memory_space<vmem>>, vector<16xi32>,
      %scan3A_24 = arith.constant 0 : i32
      scf.yield %scan3A_24 : i32
    }
    %scan3A_9 = arith.constant 1792 : i32
    %scan3A_10 = arith.constant 0 : i32
    %scan3A_11 = arith.constant 0 : i32
    %scan3A_12 = arith.constant 48 : i32
    %scan3A_13 = arith.addi %scan3A_11, %scan3A_12 : i32
    %scan3A_14 = arith.constant 1 : i32
    %scan3A_15 = scf.for %scan3A_19 = %scan3A_11 to %scan3A_13 step %scan3A_14 iter_args(%scan3A_20 = %scan3A_10) -> (i32)  : i32 {
      %mul3A_21 = arith.constant 48 : i32
      %mul3A_22 = arith.muli %add3A, %mul3A_21 : i32
      %add3A_23 = arith.addi %mul3A_22, %scan3A_19 : i32
      %dma_start3A = arith.constant 0 : i32
      %dma_start3A_24 = tpu.memref_slice %arg4[%dma_start3A] : memref<50192xi32, #tpu.memory_space<vmem>> -> memref<25088xi32, #tpu.memory_space<vmem>>
      %dma_start3A_25 = arith.constant 0 : i32
      %dma_start3A_26 = tpu.memref_slice %arg2[%add3A_23, %dma_start3A_25] : memref<1536x50176xi32, #tpu.memory_space<hbm>> -> memref<1x25088xi32, #tpu.memory_space<hbm>>
      %dma_start3A_27 = tpu.memref_squeeze %dma_start3A_26 : memref<1x25088xi32, #tpu.memory_space<hbm>> -> memref<25088xi32, #tpu.memory_space<hbm>>
      %dma_start3A_28 = arith.constant 0 : i32
      %dma_start3A_29 = tpu.memref_slice %arg4[%dma_start3A_28] : memref<50192xi32, #tpu.memory_space<vmem>> -> memref<25088xi32, #tpu.memory_space<vmem>>
      %dma_start3A_30 = arith.constant 0 : i32
      %dma_start3A_31 = tpu.memref_slice %arg2[%add3A_23, %dma_start3A_30] : memref<1536x50176xi32, #tpu.memory_space<hbm>> -> memref<1x25088xi32, #tpu.memory_space<hbm>>
      %dma_start3A_32 = tpu.memref_squeeze %dma_start3A_31 : memref<1x25088xi32, #tpu.memory_space<hbm>> -> memref<25088xi32, #tpu.memory_space<hbm>>
      tpu.enqueue_dma source(%dma_start3A_32 : memref<25088xi32, #tpu.memory_space<hbm>>) target(%dma_start3A_29 : memref<25088xi32, #tpu.memory_space<vmem>>) target_semaphore(%arg8 : memref<!tpu.dma_semaphore, #tpu.memory_space<semaphore_mem>>)
      %dma_start3A_33 = arith.constant 25088 : i32
      %dma_start3A_34 = tpu.memref_slice %arg4[%dma_start3A_33] : memref<50192xi32, #tpu.memory_space<vmem>> -> memref<25088xi32, #tpu.memory_space<vmem>>
      %dma_start3A_35 = arith.constant 25088 : i32
      %dma_start3A_36 = tpu.memref_slice %arg2[%add3A_23, %dma_start3A_35] : memref<1536x50176xi32, #tpu.memory_space<hbm>> -> memref<1x25088xi32, #tpu.memory_space<hbm>>
      %dma_start3A_37 = tpu.memref_squeeze %dma_start3A_36 : memref<1x25088xi32, #tpu.memory_space<hbm>> -> memref<25088xi32, #tpu.memory_space<hbm>>
      %dma_start3A_38 = arith.constant 25088 : i32
      %dma_start3A_39 = tpu.memref_slice %arg4[%dma_start3A_38] : memref<50192xi32, #tpu.memory_space<vmem>> -> memref<25088xi32, #tpu.memory_space<vmem>>
      %dma_start3A_40 = arith.constant 25088 : i32
      %dma_start3A_41 = tpu.memref_slice %arg2[%add3A_23, %dma_start3A_40] : memref<1536x50176xi32, #tpu.memory_space<hbm>> -> memref<1x25088xi32, #tpu.memory_space<hbm>>
      %dma_start3A_42 = tpu.memref_squeeze %dma_start3A_41 : memref<1x25088xi32, #tpu.memory_space<hbm>> -> memref<25088xi32, #tpu.memory_space<hbm>>
      tpu.enqueue_dma source(%dma_start3A_42 : memref<25088xi32, #tpu.memory_space<hbm>>) target(%dma_start3A_39 : memref<25088xi32, #tpu.memory_space<vmem>>) target_semaphore(%arg9 : memref<!tpu.dma_semaphore, #tpu.memory_space<semaphore_mem>>)
      %dma_wait3A = arith.constant 0 : i32
      %dma_wait3A_43 = tpu.memref_slice %arg4[%dma_wait3A] : memref<50192xi32, #tpu.memory_space<vmem>> -> memref<25088xi32, #tpu.memory_space<vmem>>
      %dma_wait3A_44 = arith.constant 0 : i32
      %dma_wait3A_45 = tpu.memref_slice %arg2[%add3A_23, %dma_wait3A_44] : memref<1536x50176xi32, #tpu.memory_space<hbm>> -> memref<1x25088xi32, #tpu.memory_space<hbm>>
      %dma_wait3A_46 = tpu.memref_squeeze %dma_wait3A_45 : memref<1x25088xi32, #tpu.memory_space<hbm>> -> memref<25088xi32, #tpu.memory_space<hbm>>
      %dma_wait3A_47 = arith.constant 0 : i32
      %dma_wait3A_48 = tpu.memref_slice %arg4[%dma_wait3A_47] : memref<50192xi32, #tpu.memory_space<vmem>> -> memref<25088xi32, #tpu.memory_space<vmem>>
      %dma_wait3A_49 = arith.constant 0 : i32
      %dma_wait3A_50 = tpu.memref_slice %arg2[%add3A_23, %dma_wait3A_49] : memref<1536x50176xi32, #tpu.memory_space<hbm>> -> memref<1x25088xi32, #tpu.memory_space<hbm>>
      %dma_wait3A_51 = tpu.memref_squeeze %dma_wait3A_50 : memref<1x25088xi32, #tpu.memory_space<hbm>> -> memref<25088xi32, #tpu.memory_space<hbm>>
      tpu.wait_dma2 semaphore(%arg8 : memref<!tpu.dma_semaphore, #tpu.memory_space<semaphore_mem>>) src(%dma_wait3A_51 : memref<25088xi32, #tpu.memory_space<hbm>>) dst(%dma_wait3A_48 : memref<25088xi32, #tpu.memory_space<vmem>>)
      %scan3A_52 = arith.constant 0 : i32
      %scan3A_53 = arith.constant 0 : i32
      %scan3A_54 = arith.constant 196 : i32
      %scan3A_55 = arith.addi %scan3A_53, %scan3A_54 : i32
      %scan3A_56 = arith.constant 1 : i32
      %scan3A_57 = scf.for %scan3A_108 = %scan3A_53 to %scan3A_55 step %scan3A_56 iter_args(%scan3A_109 = %scan3A_52) -> (i32)  : i32 {
        %mul3A_110 = arith.constant 8 : i32
        %mul3A_111 = arith.muli %scan3A_108, %mul3A_110 : i32
        %add3A_112 = arith.constant 0 : i32
        %add3A_113 = arith.addi %mul3A_111, %add3A_112 : i32
        %mul3A_114 = arith.constant 16 : i32
        %mul3A_115 = arith.muli %add3A_113, %mul3A_114 : i32
        %get3A = arith.index_cast %mul3A_115 : i32 to index
        %get3A_116 = tpu.vector_load %arg4[%get3A] {strides = array<i32>} : memref<50192xi32, #tpu.memory_space<vmem>>, vector<16xi32>,
        %broadcast_in_dim3A_117 = arith.constant 2147483647 : i32
        %broadcast_in_dim3A_118 = vector.broadcast %broadcast_in_dim3A_117 : i32 to vector<16xi32>
        %ge3A = arith.constant 0 : i32
        %ge3A_119 = vector.broadcast %ge3A : i32 to vector<16xi32>
        %ge3A_120 = arith.cmpi sge, %get3A_116, %ge3A_119 : vector<16xi32>
        %xor3A = arith.xori %get3A_116, %broadcast_in_dim3A_118 : vector<16xi32>
        %select_n3A = arith.select %ge3A_120, %get3A_116, %xor3A : vector<16xi1>, vector<16xi32>
        %shift_right_arithmetic3A = arith.constant 24 : i32
        %shift_right_arithmetic3A_121 = vector.broadcast %shift_right_arithmetic3A : i32 to vector<16xi32>
        %shift_right_arithmetic3A_122 = arith.shrsi %select_n3A, %shift_right_arithmetic3A_121 : vector<16xi32>
        %add3A_123 = arith.constant 128 : i32
        %add3A_124 = vector.broadcast %add3A_123 : i32 to vector<16xi32>
        %add3A_125 = arith.addi %shift_right_arithmetic3A_122, %add3A_124 : vector<16xi32>
        %mul3A_126 = arith.constant 8 : i32
        %mul3A_127 = arith.muli %scan3A_108, %mul3A_126 : i32
        %add3A_128 = arith.constant 1 : i32
        %add3A_129 = arith.addi %mul3A_127, %add3A_128 : i32
        %mul3A_130 = arith.constant 16 : i32
        %mul3A_131 = arith.muli %add3A_129, %mul3A_130 : i32
        %get3A_132 = arith.index_cast %mul3A_131 : i32 to index
        %get3A_133 = tpu.vector_load %arg4[%get3A_132] {strides = array<i32>} : memref<50192xi32, #tpu.memory_space<vmem>>, vector<16xi32>,
        %broadcast_in_dim3A_134 = arith.constant 2147483647 : i32
        %broadcast_in_dim3A_135 = vector.broadcast %broadcast_in_dim3A_134 : i32 to vector<16xi32>
        %ge3A_136 = arith.constant 0 : i32
        %ge3A_137 = vector.broadcast %ge3A_136 : i32 to vector<16xi32>
        %ge3A_138 = arith.cmpi sge, %get3A_133, %ge3A_137 : vector<16xi32>
        %xor3A_139 = arith.xori %get3A_133, %broadcast_in_dim3A_135 : vector<16xi32>
        %select_n3A_140 = arith.select %ge3A_138, %get3A_133, %xor3A_139 : vector<16xi1>, vector<16xi32>
        %shift_right_arithmetic3A_141 = arith.constant 24 : i32
        %shift_right_arithmetic3A_142 = vector.broadcast %shift_right_arithmetic3A_141 : i32 to vector<16xi32>
        %shift_right_arithmetic3A_143 = arith.shrsi %select_n3A_140, %shift_right_arithmetic3A_142 : vector<16xi32>
        %add3A_144 = arith.constant 128 : i32
        %add3A_145 = vector.broadcast %add3A_144 : i32 to vector<16xi32>
        %add3A_146 = arith.addi %shift_right_arithmetic3A_143, %add3A_145 : vector<16xi32>
        %mul3A_147 = arith.constant 8 : i32
        %mul3A_148 = arith.muli %scan3A_108, %mul3A_147 : i32
        %add3A_149 = arith.constant 2 : i32
        %add3A_150 = arith.addi %mul3A_148, %add3A_149 : i32
        %mul3A_151 = arith.constant 16 : i32
        %mul3A_152 = arith.muli %add3A_150, %mul3A_151 : i32
        %get3A_153 = arith.index_cast %mul3A_152 : i32 to index
        %get3A_154 = tpu.vector_load %arg4[%get3A_153] {strides = array<i32>} : memref<50192xi32, #tpu.memory_space<vmem>>, vector<16xi32>,
        %broadcast_in_dim3A_155 = arith.constant 2147483647 : i32
        %broadcast_in_dim3A_156 = vector.broadcast %broadcast_in_dim3A_155 : i32 to vector<16xi32>
        %ge3A_157 = arith.constant 0 : i32
        %ge3A_158 = vector.broadcast %ge3A_157 : i32 to vector<16xi32>
        %ge3A_159 = arith.cmpi sge, %get3A_154, %ge3A_158 : vector<16xi32>
        %xor3A_160 = arith.xori %get3A_154, %broadcast_in_dim3A_156 : vector<16xi32>
        %select_n3A_161 = arith.select %ge3A_159, %get3A_154, %xor3A_160 : vector<16xi1>, vector<16xi32>
        %shift_right_arithmetic3A_162 = arith.constant 24 : i32
        %shift_right_arithmetic3A_163 = vector.broadcast %shift_right_arithmetic3A_162 : i32 to vector<16xi32>
        %shift_right_arithmetic3A_164 = arith.shrsi %select_n3A_161, %shift_right_arithmetic3A_163 : vector<16xi32>
        %add3A_165 = arith.constant 128 : i32
        %add3A_166 = vector.broadcast %add3A_165 : i32 to vector<16xi32>
        %add3A_167 = arith.addi %shift_right_arithmetic3A_164, %add3A_166 : vector<16xi32>
        %mul3A_168 = arith.constant 8 : i32
        %mul3A_169 = arith.muli %scan3A_108, %mul3A_168 : i32
        %add3A_170 = arith.constant 3 : i32
        %add3A_171 = arith.addi %mul3A_169, %add3A_170 : i32
        %mul3A_172 = arith.constant 16 : i32
        %mul3A_173 = arith.muli %add3A_171, %mul3A_172 : i32
        %get3A_174 = arith.index_cast %mul3A_173 : i32 to index
        %get3A_175 = tpu.vector_load %arg4[%get3A_174] {strides = array<i32>} : memref<50192xi32, #tpu.memory_space<vmem>>, vector<16xi32>,
        %broadcast_in_dim3A_176 = arith.constant 2147483647 : i32
        %broadcast_in_dim3A_177 = vector.broadcast %broadcast_in_dim3A_176 : i32 to vector<16xi32>
        %ge3A_178 = arith.constant 0 : i32
        %ge3A_179 = vector.broadcast %ge3A_178 : i32 to vector<16xi32>
        %ge3A_180 = arith.cmpi sge, %get3A_175, %ge3A_179 : vector<16xi32>
        %xor3A_181 = arith.xori %get3A_175, %broadcast_in_dim3A_177 : vector<16xi32>
        %select_n3A_182 = arith.select %ge3A_180, %get3A_175, %xor3A_181 : vector<16xi1>, vector<16xi32>
        %shift_right_arithmetic3A_183 = arith.constant 24 : i32
        %shift_right_arithmetic3A_184 = vector.broadcast %shift_right_arithmetic3A_183 : i32 to vector<16xi32>
        %shift_right_arithmetic3A_185 = arith.shrsi %select_n3A_182, %shift_right_arithmetic3A_184 : vector<16xi32>
        %add3A_186 = arith.constant 128 : i32
        %add3A_187 = vector.broadcast %add3A_186 : i32 to vector<16xi32>
        %add3A_188 = arith.addi %shift_right_arithmetic3A_185, %add3A_187 : vector<16xi32>
        %mul3A_189 = arith.constant 8 : i32
        %mul3A_190 = arith.muli %scan3A_108, %mul3A_189 : i32
        %add3A_191 = arith.constant 4 : i32
        %add3A_192 = arith.addi %mul3A_190, %add3A_191 : i32
        %mul3A_193 = arith.constant 16 : i32
        %mul3A_194 = arith.muli %add3A_192, %mul3A_193 : i32
        %get3A_195 = arith.index_cast %mul3A_194 : i32 to index
        %get3A_196 = tpu.vector_load %arg4[%get3A_195] {strides = array<i32>} : memref<50192xi32, #tpu.memory_space<vmem>>, vector<16xi32>,
        %broadcast_in_dim3A_197 = arith.constant 2147483647 : i32
        %broadcast_in_dim3A_198 = vector.broadcast %broadcast_in_dim3A_197 : i32 to vector<16xi32>
        %ge3A_199 = arith.constant 0 : i32
        %ge3A_200 = vector.broadcast %ge3A_199 : i32 to vector<16xi32>
        %ge3A_201 = arith.cmpi sge, %get3A_196, %ge3A_200 : vector<16xi32>
        %xor3A_202 = arith.xori %get3A_196, %broadcast_in_dim3A_198 : vector<16xi32>
        %select_n3A_203 = arith.select %ge3A_201, %get3A_196, %xor3A_202 : vector<16xi1>, vector<16xi32>
        %shift_right_arithmetic3A_204 = arith.constant 24 : i32
        %shift_right_arithmetic3A_205 = vector.broadcast %shift_right_arithmetic3A_204 : i32 to vector<16xi32>
        %shift_right_arithmetic3A_206 = arith.shrsi %select_n3A_203, %shift_right_arithmetic3A_205 : vector<16xi32>
        %add3A_207 = arith.constant 128 : i32
        %add3A_208 = vector.broadcast %add3A_207 : i32 to vector<16xi32>
        %add3A_209 = arith.addi %shift_right_arithmetic3A_206, %add3A_208 : vector<16xi32>
        %mul3A_210 = arith.constant 8 : i32
        %mul3A_211 = arith.muli %scan3A_108, %mul3A_210 : i32
        %add3A_212 = arith.constant 5 : i32
        %add3A_213 = arith.addi %mul3A_211, %add3A_212 : i32
        %mul3A_214 = arith.constant 16 : i32
        %mul3A_215 = arith.muli %add3A_213, %mul3A_214 : i32
        %get3A_216 = arith.index_cast %mul3A_215 : i32 to index
        %get3A_217 = tpu.vector_load %arg4[%get3A_216] {strides = array<i32>} : memref<50192xi32, #tpu.memory_space<vmem>>, vector<16xi32>,
        %broadcast_in_dim3A_218 = arith.constant 2147483647 : i32
        %broadcast_in_dim3A_219 = vector.broadcast %broadcast_in_dim3A_218 : i32 to vector<16xi32>
        %ge3A_220 = arith.constant 0 : i32
        %ge3A_221 = vector.broadcast %ge3A_220 : i32 to vector<16xi32>
        %ge3A_222 = arith.cmpi sge, %get3A_217, %ge3A_221 : vector<16xi32>
        %xor3A_223 = arith.xori %get3A_217, %broadcast_in_dim3A_219 : vector<16xi32>
        %select_n3A_224 = arith.select %ge3A_222, %get3A_217, %xor3A_223 : vector<16xi1>, vector<16xi32>
        %shift_right_arithmetic3A_225 = arith.constant 24 : i32
        %shift_right_arithmetic3A_226 = vector.broadcast %shift_right_arithmetic3A_225 : i32 to vector<16xi32>
        %shift_right_arithmetic3A_227 = arith.shrsi %select_n3A_224, %shift_right_arithmetic3A_226 : vector<16xi32>
        %add3A_228 = arith.constant 128 : i32
        %add3A_229 = vector.broadcast %add3A_228 : i32 to vector<16xi32>
        %add3A_230 = arith.addi %shift_right_arithmetic3A_227, %add3A_229 : vector<16xi32>
        %mul3A_231 = arith.constant 8 : i32
        %mul3A_232 = arith.muli %scan3A_108, %mul3A_231 : i32
        %add3A_233 = arith.constant 6 : i32
        %add3A_234 = arith.addi %mul3A_232, %add3A_233 : i32
        %mul3A_235 = arith.constant 16 : i32
        %mul3A_236 = arith.muli %add3A_234, %mul3A_235 : i32
        %get3A_237 = arith.index_cast %mul3A_236 : i32 to index
        %get3A_238 = tpu.vector_load %arg4[%get3A_237] {strides = array<i32>} : memref<50192xi32, #tpu.memory_space<vmem>>, vector<16xi32>,
        %broadcast_in_dim3A_239 = arith.constant 2147483647 : i32
        %broadcast_in_dim3A_240 = vector.broadcast %broadcast_in_dim3A_239 : i32 to vector<16xi32>
        %ge3A_241 = arith.constant 0 : i32
        %ge3A_242 = vector.broadcast %ge3A_241 : i32 to vector<16xi32>
        %ge3A_243 = arith.cmpi sge, %get3A_238, %ge3A_242 : vector<16xi32>
        %xor3A_244 = arith.xori %get3A_238, %broadcast_in_dim3A_240 : vector<16xi32>
        %select_n3A_245 = arith.select %ge3A_243, %get3A_238, %xor3A_244 : vector<16xi1>, vector<16xi32>
        %shift_right_arithmetic3A_246 = arith.constant 24 : i32
        %shift_right_arithmetic3A_247 = vector.broadcast %shift_right_arithmetic3A_246 : i32 to vector<16xi32>
        %shift_right_arithmetic3A_248 = arith.shrsi %select_n3A_245, %shift_right_arithmetic3A_247 : vector<16xi32>
        %add3A_249 = arith.constant 128 : i32
        %add3A_250 = vector.broadcast %add3A_249 : i32 to vector<16xi32>
        %add3A_251 = arith.addi %shift_right_arithmetic3A_248, %add3A_250 : vector<16xi32>
        %mul3A_252 = arith.constant 8 : i32
        %mul3A_253 = arith.muli %scan3A_108, %mul3A_252 : i32
        %add3A_254 = arith.constant 7 : i32
        %add3A_255 = arith.addi %mul3A_253, %add3A_254 : i32
        %mul3A_256 = arith.constant 16 : i32
        %mul3A_257 = arith.muli %add3A_255, %mul3A_256 : i32
        %get3A_258 = arith.index_cast %mul3A_257 : i32 to index
        %get3A_259 = tpu.vector_load %arg4[%get3A_258] {strides = array<i32>} : memref<50192xi32, #tpu.memory_space<vmem>>, vector<16xi32>,
        %broadcast_in_dim3A_260 = arith.constant 2147483647 : i32
        %broadcast_in_dim3A_261 = vector.broadcast %broadcast_in_dim3A_260 : i32 to vector<16xi32>
        %ge3A_262 = arith.constant 0 : i32
        %ge3A_263 = vector.broadcast %ge3A_262 : i32 to vector<16xi32>
        %ge3A_264 = arith.cmpi sge, %get3A_259, %ge3A_263 : vector<16xi32>
        %xor3A_265 = arith.xori %get3A_259, %broadcast_in_dim3A_261 : vector<16xi32>
        %select_n3A_266 = arith.select %ge3A_264, %get3A_259, %xor3A_265 : vector<16xi1>, vector<16xi32>
        %shift_right_arithmetic3A_267 = arith.constant 24 : i32
        %shift_right_arithmetic3A_268 = vector.broadcast %shift_right_arithmetic3A_267 : i32 to vector<16xi32>
        %shift_right_arithmetic3A_269 = arith.shrsi %select_n3A_266, %shift_right_arithmetic3A_268 : vector<16xi32>
        %add3A_270 = arith.constant 128 : i32
        %add3A_271 = vector.broadcast %add3A_270 : i32 to vector<16xi32>
        %add3A_272 = arith.addi %shift_right_arithmetic3A_269, %add3A_271 : vector<16xi32>
        %mul3A_273 = arith.constant 16 : i32
        %mul3A_274 = vector.broadcast %mul3A_273 : i32 to vector<16xi32>
        %mul3A_275 = arith.muli %add3A_125, %mul3A_274 : vector<16xi32>
        %add3A_276 = arith.constant 0 : i32
        %add3A_277 = vector.broadcast %add3A_276 : i32 to vector<16xi32>
        %add3A_278 = arith.addi %add3A_277, %mul3A_275 : vector<16xi32>
        %add3A_279 = arith.addi %add3A_278, %iota3A : vector<16xi32>
        tpu.vector_store_idx %arg6[%add3A_279], %broadcast_in_dim3A_1 {add = true} : memref<28672xi32, #tpu.memory_space<vmem>>[vector<16xi32>], vector<16xi32>,
        %mul3A_280 = arith.constant 16 : i32
        %mul3A_281 = vector.broadcast %mul3A_280 : i32 to vector<16xi32>
        %mul3A_282 = arith.muli %add3A_146, %mul3A_281 : vector<16xi32>
        %add3A_283 = arith.constant 4096 : i32
        %add3A_284 = vector.broadcast %add3A_283 : i32 to vector<16xi32>
        %add3A_285 = arith.addi %add3A_284, %mul3A_282 : vector<16xi32>
        %add3A_286 = arith.addi %add3A_285, %iota3A : vector<16xi32>
        tpu.vector_store_idx %arg6[%add3A_286], %broadcast_in_dim3A_1 {add = true} : memref<28672xi32, #tpu.memory_space<vmem>>[vector<16xi32>], vector<16xi32>,
        %mul3A_287 = arith.constant 16 : i32
        %mul3A_288 = vector.broadcast %mul3A_287 : i32 to vector<16xi32>
        %mul3A_289 = arith.muli %add3A_167, %mul3A_288 : vector<16xi32>
        %add3A_290 = arith.constant 8192 : i32
        %add3A_291 = vector.broadcast %add3A_290 : i32 to vector<16xi32>
        %add3A_292 = arith.addi %add3A_291, %mul3A_289 : vector<16xi32>
        %add3A_293 = arith.addi %add3A_292, %iota3A : vector<16xi32>
        tpu.vector_store_idx %arg6[%add3A_293], %broadcast_in_dim3A_1 {add = true} : memref<28672xi32, #tpu.memory_space<vmem>>[vector<16xi32>], vector<16xi32>,
        %mul3A_294 = arith.constant 16 : i32
        %mul3A_295 = vector.broadcast %mul3A_294 : i32 to vector<16xi32>
        %mul3A_296 = arith.muli %add3A_188, %mul3A_295 : vector<16xi32>
        %add3A_297 = arith.constant 12288 : i32
        %add3A_298 = vector.broadcast %add3A_297 : i32 to vector<16xi32>
        %add3A_299 = arith.addi %add3A_298, %mul3A_296 : vector<16xi32>
        %add3A_300 = arith.addi %add3A_299, %iota3A : vector<16xi32>
        tpu.vector_store_idx %arg6[%add3A_300], %broadcast_in_dim3A_1 {add = true} : memref<28672xi32, #tpu.memory_space<vmem>>[vector<16xi32>], vector<16xi32>,
        %mul3A_301 = arith.constant 16 : i32
        %mul3A_302 = vector.broadcast %mul3A_301 : i32 to vector<16xi32>
        %mul3A_303 = arith.muli %add3A_209, %mul3A_302 : vector<16xi32>
        %add3A_304 = arith.constant 16384 : i32
        %add3A_305 = vector.broadcast %add3A_304 : i32 to vector<16xi32>
        %add3A_306 = arith.addi %add3A_305, %mul3A_303 : vector<16xi32>
        %add3A_307 = arith.addi %add3A_306, %iota3A : vector<16xi32>
        tpu.vector_store_idx %arg6[%add3A_307], %broadcast_in_dim3A_1 {add = true} : memref<28672xi32, #tpu.memory_space<vmem>>[vector<16xi32>], vector<16xi32>,
        %mul3A_308 = arith.constant 16 : i32
        %mul3A_309 = vector.broadcast %mul3A_308 : i32 to vector<16xi32>
        %mul3A_310 = arith.muli %add3A_230, %mul3A_309 : vector<16xi32>
        %add3A_311 = arith.constant 20480 : i32
        %add3A_312 = vector.broadcast %add3A_311 : i32 to vector<16xi32>
        %add3A_313 = arith.addi %add3A_312, %mul3A_310 : vector<16xi32>
        %add3A_314 = arith.addi %add3A_313, %iota3A : vector<16xi32>
        tpu.vector_store_idx %arg6[%add3A_314], %broadcast_in_dim3A_1 {add = true} : memref<28672xi32, #tpu.memory_space<vmem>>[vector<16xi32>], vector<16xi32>,
        %mul3A_315 = arith.constant 16 : i32
        %mul3A_316 = vector.broadcast %mul3A_315 : i32 to vector<16xi32>
        %mul3A_317 = arith.muli %add3A_251, %mul3A_316 : vector<16xi32>
        %add3A_318 = arith.constant 24576 : i32
        %add3A_319 = vector.broadcast %add3A_318 : i32 to vector<16xi32>
        %add3A_320 = arith.addi %add3A_319, %mul3A_317 : vector<16xi32>
        %add3A_321 = arith.addi %add3A_320, %iota3A : vector<16xi32>
        tpu.vector_store_idx %arg6[%add3A_321], %broadcast_in_dim3A_1 {add = true} : memref<28672xi32, #tpu.memory_space<vmem>>[vector<16xi32>], vector<16xi32>,
        %mul3A_322 = arith.constant 16 : i32
        %mul3A_323 = vector.broadcast %mul3A_322 : i32 to vector<16xi32>
        %mul3A_324 = arith.muli %add3A_272, %mul3A_323 : vector<16xi32>
        %add3A_325 = arith.constant 0 : i32
        %add3A_326 = vector.broadcast %add3A_325 : i32 to vector<16xi32>
        %add3A_327 = arith.addi %add3A_326, %mul3A_324 : vector<16xi32>
        %add3A_328 = arith.addi %add3A_327, %iota3A : vector<16xi32>
        tpu.vector_store_idx %arg6[%add3A_328], %broadcast_in_dim3A_1 {add = true} : memref<28672xi32, #tpu.memory_space<vmem>>[vector<16xi32>], vector<16xi32>,
        %scan3A_329 = arith.constant 0 : i32
        scf.yield %scan3A_329 : i32
      }
      %scan3A_58 = arith.constant 196 : i32
      %dma_wait3A_59 = arith.constant 25088 : i32
      %dma_wait3A_60 = tpu.memref_slice %arg4[%dma_wait3A_59] : memref<50192xi32, #tpu.memory_space<vmem>> -> memref<25088xi32, #tpu.memory_space<vmem>>
      %dma_wait3A_61 = arith.constant 25088 : i32
      %dma_wait3A_62 = tpu.memref_slice %arg2[%add3A_23, %dma_wait3A_61] : memref<1536x50176xi32, #tpu.memory_space<hbm>> -> memref<1x25088xi32, #tpu.memory_space<hbm>>
      %dma_wait3A_63 = tpu.memref_squeeze %dma_wait3A_62 : memref<1x25088xi32, #tpu.memory_space<hbm>> -> memref<25088xi32, #tpu.memory_space<hbm>>
      %dma_wait3A_64 = arith.constant 25088 : i32
      %dma_wait3A_65 = tpu.memref_slice %arg4[%dma_wait3A_64] : memref<50192xi32, #tpu.memory_space<vmem>> -> memref<25088xi32, #tpu.memory_space<vmem>>
      %dma_wait3A_66 = arith.constant 25088 : i32
      %dma_wait3A_67 = tpu.memref_slice %arg2[%add3A_23, %dma_wait3A_66] : memref<1536x50176xi32, #tpu.memory_space<hbm>> -> memref<1x25088xi32, #tpu.memory_space<hbm>>
      %dma_wait3A_68 = tpu.memref_squeeze %dma_wait3A_67 : memref<1x25088xi32, #tpu.memory_space<hbm>> -> memref<25088xi32, #tpu.memory_space<hbm>>
      tpu.wait_dma2 semaphore(%arg9 : memref<!tpu.dma_semaphore, #tpu.memory_space<semaphore_mem>>) src(%dma_wait3A_68 : memref<25088xi32, #tpu.memory_space<hbm>>) dst(%dma_wait3A_65 : memref<25088xi32, #tpu.memory_space<vmem>>)
      %scan3A_69 = arith.constant 0 : i32
      %scan3A_70 = arith.constant 196 : i32
      %scan3A_71 = arith.constant 196 : i32
      %scan3A_72 = arith.addi %scan3A_70, %scan3A_71 : i32
      %scan3A_73 = arith.constant 1 : i32
      %scan3A_74 = scf.for %scan3A_108 = %scan3A_70 to %scan3A_72 step %scan3A_73 iter_args(%scan3A_109 = %scan3A_69) -> (i32)  : i32 {
        %mul3A_110 = arith.constant 8 : i32
        %mul3A_111 = arith.muli %scan3A_108, %mul3A_110 : i32
        %add3A_112 = arith.constant 0 : i32
        %add3A_113 = arith.addi %mul3A_111, %add3A_112 : i32
        %mul3A_114 = arith.constant 16 : i32
        %mul3A_115 = arith.muli %add3A_113, %mul3A_114 : i32
        %get3A = arith.index_cast %mul3A_115 : i32 to index
        %get3A_116 = tpu.vector_load %arg4[%get3A] {strides = array<i32>} : memref<50192xi32, #tpu.memory_space<vmem>>, vector<16xi32>,
        %broadcast_in_dim3A_117 = arith.constant 2147483647 : i32
        %broadcast_in_dim3A_118 = vector.broadcast %broadcast_in_dim3A_117 : i32 to vector<16xi32>
        %ge3A = arith.constant 0 : i32
        %ge3A_119 = vector.broadcast %ge3A : i32 to vector<16xi32>
        %ge3A_120 = arith.cmpi sge, %get3A_116, %ge3A_119 : vector<16xi32>
        %xor3A = arith.xori %get3A_116, %broadcast_in_dim3A_118 : vector<16xi32>
        %select_n3A = arith.select %ge3A_120, %get3A_116, %xor3A : vector<16xi1>, vector<16xi32>
        %shift_right_arithmetic3A = arith.constant 24 : i32
        %shift_right_arithmetic3A_121 = vector.broadcast %shift_right_arithmetic3A : i32 to vector<16xi32>
        %shift_right_arithmetic3A_122 = arith.shrsi %select_n3A, %shift_right_arithmetic3A_121 : vector<16xi32>
        %add3A_123 = arith.constant 128 : i32
        %add3A_124 = vector.broadcast %add3A_123 : i32 to vector<16xi32>
        %add3A_125 = arith.addi %shift_right_arithmetic3A_122, %add3A_124 : vector<16xi32>
        %mul3A_126 = arith.constant 8 : i32
        %mul3A_127 = arith.muli %scan3A_108, %mul3A_126 : i32
        %add3A_128 = arith.constant 1 : i32
        %add3A_129 = arith.addi %mul3A_127, %add3A_128 : i32
        %mul3A_130 = arith.constant 16 : i32
        %mul3A_131 = arith.muli %add3A_129, %mul3A_130 : i32
        %get3A_132 = arith.index_cast %mul3A_131 : i32 to index
        %get3A_133 = tpu.vector_load %arg4[%get3A_132] {strides = array<i32>} : memref<50192xi32, #tpu.memory_space<vmem>>, vector<16xi32>,
        %broadcast_in_dim3A_134 = arith.constant 2147483647 : i32
        %broadcast_in_dim3A_135 = vector.broadcast %broadcast_in_dim3A_134 : i32 to vector<16xi32>
        %ge3A_136 = arith.constant 0 : i32
        %ge3A_137 = vector.broadcast %ge3A_136 : i32 to vector<16xi32>
        %ge3A_138 = arith.cmpi sge, %get3A_133, %ge3A_137 : vector<16xi32>
        %xor3A_139 = arith.xori %get3A_133, %broadcast_in_dim3A_135 : vector<16xi32>
        %select_n3A_140 = arith.select %ge3A_138, %get3A_133, %xor3A_139 : vector<16xi1>, vector<16xi32>
        %shift_right_arithmetic3A_141 = arith.constant 24 : i32
        %shift_right_arithmetic3A_142 = vector.broadcast %shift_right_arithmetic3A_141 : i32 to vector<16xi32>
        %shift_right_arithmetic3A_143 = arith.shrsi %select_n3A_140, %shift_right_arithmetic3A_142 : vector<16xi32>
        %add3A_144 = arith.constant 128 : i32
        %add3A_145 = vector.broadcast %add3A_144 : i32 to vector<16xi32>
        %add3A_146 = arith.addi %shift_right_arithmetic3A_143, %add3A_145 : vector<16xi32>
        %mul3A_147 = arith.constant 8 : i32
        %mul3A_148 = arith.muli %scan3A_108, %mul3A_147 : i32
        %add3A_149 = arith.constant 2 : i32
        %add3A_150 = arith.addi %mul3A_148, %add3A_149 : i32
        %mul3A_151 = arith.constant 16 : i32
        %mul3A_152 = arith.muli %add3A_150, %mul3A_151 : i32
        %get3A_153 = arith.index_cast %mul3A_152 : i32 to index
        %get3A_154 = tpu.vector_load %arg4[%get3A_153] {strides = array<i32>} : memref<50192xi32, #tpu.memory_space<vmem>>, vector<16xi32>,
        %broadcast_in_dim3A_155 = arith.constant 2147483647 : i32
        %broadcast_in_dim3A_156 = vector.broadcast %broadcast_in_dim3A_155 : i32 to vector<16xi32>
        %ge3A_157 = arith.constant 0 : i32
        %ge3A_158 = vector.broadcast %ge3A_157 : i32 to vector<16xi32>
        %ge3A_159 = arith.cmpi sge, %get3A_154, %ge3A_158 : vector<16xi32>
        %xor3A_160 = arith.xori %get3A_154, %broadcast_in_dim3A_156 : vector<16xi32>
        %select_n3A_161 = arith.select %ge3A_159, %get3A_154, %xor3A_160 : vector<16xi1>, vector<16xi32>
        %shift_right_arithmetic3A_162 = arith.constant 24 : i32
        %shift_right_arithmetic3A_163 = vector.broadcast %shift_right_arithmetic3A_162 : i32 to vector<16xi32>
        %shift_right_arithmetic3A_164 = arith.shrsi %select_n3A_161, %shift_right_arithmetic3A_163 : vector<16xi32>
        %add3A_165 = arith.constant 128 : i32
        %add3A_166 = vector.broadcast %add3A_165 : i32 to vector<16xi32>
        %add3A_167 = arith.addi %shift_right_arithmetic3A_164, %add3A_166 : vector<16xi32>
        %mul3A_168 = arith.constant 8 : i32
        %mul3A_169 = arith.muli %scan3A_108, %mul3A_168 : i32
        %add3A_170 = arith.constant 3 : i32
        %add3A_171 = arith.addi %mul3A_169, %add3A_170 : i32
        %mul3A_172 = arith.constant 16 : i32
        %mul3A_173 = arith.muli %add3A_171, %mul3A_172 : i32
        %get3A_174 = arith.index_cast %mul3A_173 : i32 to index
        %get3A_175 = tpu.vector_load %arg4[%get3A_174] {strides = array<i32>} : memref<50192xi32, #tpu.memory_space<vmem>>, vector<16xi32>,
        %broadcast_in_dim3A_176 = arith.constant 2147483647 : i32
        %broadcast_in_dim3A_177 = vector.broadcast %broadcast_in_dim3A_176 : i32 to vector<16xi32>
        %ge3A_178 = arith.constant 0 : i32
        %ge3A_179 = vector.broadcast %ge3A_178 : i32 to vector<16xi32>
        %ge3A_180 = arith.cmpi sge, %get3A_175, %ge3A_179 : vector<16xi32>
        %xor3A_181 = arith.xori %get3A_175, %broadcast_in_dim3A_177 : vector<16xi32>
        %select_n3A_182 = arith.select %ge3A_180, %get3A_175, %xor3A_181 : vector<16xi1>, vector<16xi32>
        %shift_right_arithmetic3A_183 = arith.constant 24 : i32
        %shift_right_arithmetic3A_184 = vector.broadcast %shift_right_arithmetic3A_183 : i32 to vector<16xi32>
        %shift_right_arithmetic3A_185 = arith.shrsi %select_n3A_182, %shift_right_arithmetic3A_184 : vector<16xi32>
        %add3A_186 = arith.constant 128 : i32
        %add3A_187 = vector.broadcast %add3A_186 : i32 to vector<16xi32>
        %add3A_188 = arith.addi %shift_right_arithmetic3A_185, %add3A_187 : vector<16xi32>
        %mul3A_189 = arith.constant 8 : i32
        %mul3A_190 = arith.muli %scan3A_108, %mul3A_189 : i32
        %add3A_191 = arith.constant 4 : i32
        %add3A_192 = arith.addi %mul3A_190, %add3A_191 : i32
        %mul3A_193 = arith.constant 16 : i32
        %mul3A_194 = arith.muli %add3A_192, %mul3A_193 : i32
        %get3A_195 = arith.index_cast %mul3A_194 : i32 to index
        %get3A_196 = tpu.vector_load %arg4[%get3A_195] {strides = array<i32>} : memref<50192xi32, #tpu.memory_space<vmem>>, vector<16xi32>,
        %broadcast_in_dim3A_197 = arith.constant 2147483647 : i32
        %broadcast_in_dim3A_198 = vector.broadcast %broadcast_in_dim3A_197 : i32 to vector<16xi32>
        %ge3A_199 = arith.constant 0 : i32
        %ge3A_200 = vector.broadcast %ge3A_199 : i32 to vector<16xi32>
        %ge3A_201 = arith.cmpi sge, %get3A_196, %ge3A_200 : vector<16xi32>
        %xor3A_202 = arith.xori %get3A_196, %broadcast_in_dim3A_198 : vector<16xi32>
        %select_n3A_203 = arith.select %ge3A_201, %get3A_196, %xor3A_202 : vector<16xi1>, vector<16xi32>
        %shift_right_arithmetic3A_204 = arith.constant 24 : i32
        %shift_right_arithmetic3A_205 = vector.broadcast %shift_right_arithmetic3A_204 : i32 to vector<16xi32>
        %shift_right_arithmetic3A_206 = arith.shrsi %select_n3A_203, %shift_right_arithmetic3A_205 : vector<16xi32>
        %add3A_207 = arith.constant 128 : i32
        %add3A_208 = vector.broadcast %add3A_207 : i32 to vector<16xi32>
        %add3A_209 = arith.addi %shift_right_arithmetic3A_206, %add3A_208 : vector<16xi32>
        %mul3A_210 = arith.constant 8 : i32
        %mul3A_211 = arith.muli %scan3A_108, %mul3A_210 : i32
        %add3A_212 = arith.constant 5 : i32
        %add3A_213 = arith.addi %mul3A_211, %add3A_212 : i32
        %mul3A_214 = arith.constant 16 : i32
        %mul3A_215 = arith.muli %add3A_213, %mul3A_214 : i32
        %get3A_216 = arith.index_cast %mul3A_215 : i32 to index
        %get3A_217 = tpu.vector_load %arg4[%get3A_216] {strides = array<i32>} : memref<50192xi32, #tpu.memory_space<vmem>>, vector<16xi32>,
        %broadcast_in_dim3A_218 = arith.constant 2147483647 : i32
        %broadcast_in_dim3A_219 = vector.broadcast %broadcast_in_dim3A_218 : i32 to vector<16xi32>
        %ge3A_220 = arith.constant 0 : i32
        %ge3A_221 = vector.broadcast %ge3A_220 : i32 to vector<16xi32>
        %ge3A_222 = arith.cmpi sge, %get3A_217, %ge3A_221 : vector<16xi32>
        %xor3A_223 = arith.xori %get3A_217, %broadcast_in_dim3A_219 : vector<16xi32>
        %select_n3A_224 = arith.select %ge3A_222, %get3A_217, %xor3A_223 : vector<16xi1>, vector<16xi32>
        %shift_right_arithmetic3A_225 = arith.constant 24 : i32
        %shift_right_arithmetic3A_226 = vector.broadcast %shift_right_arithmetic3A_225 : i32 to vector<16xi32>
        %shift_right_arithmetic3A_227 = arith.shrsi %select_n3A_224, %shift_right_arithmetic3A_226 : vector<16xi32>
        %add3A_228 = arith.constant 128 : i32
        %add3A_229 = vector.broadcast %add3A_228 : i32 to vector<16xi32>
        %add3A_230 = arith.addi %shift_right_arithmetic3A_227, %add3A_229 : vector<16xi32>
        %mul3A_231 = arith.constant 8 : i32
        %mul3A_232 = arith.muli %scan3A_108, %mul3A_231 : i32
        %add3A_233 = arith.constant 6 : i32
        %add3A_234 = arith.addi %mul3A_232, %add3A_233 : i32
        %mul3A_235 = arith.constant 16 : i32
        %mul3A_236 = arith.muli %add3A_234, %mul3A_235 : i32
        %get3A_237 = arith.index_cast %mul3A_236 : i32 to index
        %get3A_238 = tpu.vector_load %arg4[%get3A_237] {strides = array<i32>} : memref<50192xi32, #tpu.memory_space<vmem>>, vector<16xi32>,
        %broadcast_in_dim3A_239 = arith.constant 2147483647 : i32
        %broadcast_in_dim3A_240 = vector.broadcast %broadcast_in_dim3A_239 : i32 to vector<16xi32>
        %ge3A_241 = arith.constant 0 : i32
        %ge3A_242 = vector.broadcast %ge3A_241 : i32 to vector<16xi32>
        %ge3A_243 = arith.cmpi sge, %get3A_238, %ge3A_242 : vector<16xi32>
        %xor3A_244 = arith.xori %get3A_238, %broadcast_in_dim3A_240 : vector<16xi32>
        %select_n3A_245 = arith.select %ge3A_243, %get3A_238, %xor3A_244 : vector<16xi1>, vector<16xi32>
        %shift_right_arithmetic3A_246 = arith.constant 24 : i32
        %shift_right_arithmetic3A_247 = vector.broadcast %shift_right_arithmetic3A_246 : i32 to vector<16xi32>
        %shift_right_arithmetic3A_248 = arith.shrsi %select_n3A_245, %shift_right_arithmetic3A_247 : vector<16xi32>
        %add3A_249 = arith.constant 128 : i32
        %add3A_250 = vector.broadcast %add3A_249 : i32 to vector<16xi32>
        %add3A_251 = arith.addi %shift_right_arithmetic3A_248, %add3A_250 : vector<16xi32>
        %mul3A_252 = arith.constant 8 : i32
        %mul3A_253 = arith.muli %scan3A_108, %mul3A_252 : i32
        %add3A_254 = arith.constant 7 : i32
        %add3A_255 = arith.addi %mul3A_253, %add3A_254 : i32
        %mul3A_256 = arith.constant 16 : i32
        %mul3A_257 = arith.muli %add3A_255, %mul3A_256 : i32
        %get3A_258 = arith.index_cast %mul3A_257 : i32 to index
        %get3A_259 = tpu.vector_load %arg4[%get3A_258] {strides = array<i32>} : memref<50192xi32, #tpu.memory_space<vmem>>, vector<16xi32>,
        %broadcast_in_dim3A_260 = arith.constant 2147483647 : i32
        %broadcast_in_dim3A_261 = vector.broadcast %broadcast_in_dim3A_260 : i32 to vector<16xi32>
        %ge3A_262 = arith.constant 0 : i32
        %ge3A_263 = vector.broadcast %ge3A_262 : i32 to vector<16xi32>
        %ge3A_264 = arith.cmpi sge, %get3A_259, %ge3A_263 : vector<16xi32>
        %xor3A_265 = arith.xori %get3A_259, %broadcast_in_dim3A_261 : vector<16xi32>
        %select_n3A_266 = arith.select %ge3A_264, %get3A_259, %xor3A_265 : vector<16xi1>, vector<16xi32>
        %shift_right_arithmetic3A_267 = arith.constant 24 : i32
        %shift_right_arithmetic3A_268 = vector.broadcast %shift_right_arithmetic3A_267 : i32 to vector<16xi32>
        %shift_right_arithmetic3A_269 = arith.shrsi %select_n3A_266, %shift_right_arithmetic3A_268 : vector<16xi32>
        %add3A_270 = arith.constant 128 : i32
        %add3A_271 = vector.broadcast %add3A_270 : i32 to vector<16xi32>
        %add3A_272 = arith.addi %shift_right_arithmetic3A_269, %add3A_271 : vector<16xi32>
        %mul3A_273 = arith.constant 16 : i32
        %mul3A_274 = vector.broadcast %mul3A_273 : i32 to vector<16xi32>
        %mul3A_275 = arith.muli %add3A_125, %mul3A_274 : vector<16xi32>
        %add3A_276 = arith.constant 0 : i32
        %add3A_277 = vector.broadcast %add3A_276 : i32 to vector<16xi32>
        %add3A_278 = arith.addi %add3A_277, %mul3A_275 : vector<16xi32>
        %add3A_279 = arith.addi %add3A_278, %iota3A : vector<16xi32>
        tpu.vector_store_idx %arg6[%add3A_279], %broadcast_in_dim3A_1 {add = true} : memref<28672xi32, #tpu.memory_space<vmem>>[vector<16xi32>], vector<16xi32>,
        %mul3A_280 = arith.constant 16 : i32
        %mul3A_281 = vector.broadcast %mul3A_280 : i32 to vector<16xi32>
        %mul3A_282 = arith.muli %add3A_146, %mul3A_281 : vector<16xi32>
        %add3A_283 = arith.constant 4096 : i32
        %add3A_284 = vector.broadcast %add3A_283 : i32 to vector<16xi32>
        %add3A_285 = arith.addi %add3A_284, %mul3A_282 : vector<16xi32>
        %add3A_286 = arith.addi %add3A_285, %iota3A : vector<16xi32>
        tpu.vector_store_idx %arg6[%add3A_286], %broadcast_in_dim3A_1 {add = true} : memref<28672xi32, #tpu.memory_space<vmem>>[vector<16xi32>], vector<16xi32>,
        %mul3A_287 = arith.constant 16 : i32
        %mul3A_288 = vector.broadcast %mul3A_287 : i32 to vector<16xi32>
        %mul3A_289 = arith.muli %add3A_167, %mul3A_288 : vector<16xi32>
        %add3A_290 = arith.constant 8192 : i32
        %add3A_291 = vector.broadcast %add3A_290 : i32 to vector<16xi32>
        %add3A_292 = arith.addi %add3A_291, %mul3A_289 : vector<16xi32>
        %add3A_293 = arith.addi %add3A_292, %iota3A : vector<16xi32>
        tpu.vector_store_idx %arg6[%add3A_293], %broadcast_in_dim3A_1 {add = true} : memref<28672xi32, #tpu.memory_space<vmem>>[vector<16xi32>], vector<16xi32>,
        %mul3A_294 = arith.constant 16 : i32
        %mul3A_295 = vector.broadcast %mul3A_294 : i32 to vector<16xi32>
        %mul3A_296 = arith.muli %add3A_188, %mul3A_295 : vector<16xi32>
        %add3A_297 = arith.constant 12288 : i32
        %add3A_298 = vector.broadcast %add3A_297 : i32 to vector<16xi32>
        %add3A_299 = arith.addi %add3A_298, %mul3A_296 : vector<16xi32>
        %add3A_300 = arith.addi %add3A_299, %iota3A : vector<16xi32>
        tpu.vector_store_idx %arg6[%add3A_300], %broadcast_in_dim3A_1 {add = true} : memref<28672xi32, #tpu.memory_space<vmem>>[vector<16xi32>], vector<16xi32>,
        %mul3A_301 = arith.constant 16 : i32
        %mul3A_302 = vector.broadcast %mul3A_301 : i32 to vector<16xi32>
        %mul3A_303 = arith.muli %add3A_209, %mul3A_302 : vector<16xi32>
        %add3A_304 = arith.constant 16384 : i32
        %add3A_305 = vector.broadcast %add3A_304 : i32 to vector<16xi32>
        %add3A_306 = arith.addi %add3A_305, %mul3A_303 : vector<16xi32>
        %add3A_307 = arith.addi %add3A_306, %iota3A : vector<16xi32>
        tpu.vector_store_idx %arg6[%add3A_307], %broadcast_in_dim3A_1 {add = true} : memref<28672xi32, #tpu.memory_space<vmem>>[vector<16xi32>], vector<16xi32>,
        %mul3A_308 = arith.constant 16 : i32
        %mul3A_309 = vector.broadcast %mul3A_308 : i32 to vector<16xi32>
        %mul3A_310 = arith.muli %add3A_230, %mul3A_309 : vector<16xi32>
        %add3A_311 = arith.constant 20480 : i32
        %add3A_312 = vector.broadcast %add3A_311 : i32 to vector<16xi32>
        %add3A_313 = arith.addi %add3A_312, %mul3A_310 : vector<16xi32>
        %add3A_314 = arith.addi %add3A_313, %iota3A : vector<16xi32>
        tpu.vector_store_idx %arg6[%add3A_314], %broadcast_in_dim3A_1 {add = true} : memref<28672xi32, #tpu.memory_space<vmem>>[vector<16xi32>], vector<16xi32>,
        %mul3A_315 = arith.constant 16 : i32
        %mul3A_316 = vector.broadcast %mul3A_315 : i32 to vector<16xi32>
        %mul3A_317 = arith.muli %add3A_251, %mul3A_316 : vector<16xi32>
        %add3A_318 = arith.constant 24576 : i32
        %add3A_319 = vector.broadcast %add3A_318 : i32 to vector<16xi32>
        %add3A_320 = arith.addi %add3A_319, %mul3A_317 : vector<16xi32>
        %add3A_321 = arith.addi %add3A_320, %iota3A : vector<16xi32>
        tpu.vector_store_idx %arg6[%add3A_321], %broadcast_in_dim3A_1 {add = true} : memref<28672xi32, #tpu.memory_space<vmem>>[vector<16xi32>], vector<16xi32>,
        %mul3A_322 = arith.constant 16 : i32
        %mul3A_323 = vector.broadcast %mul3A_322 : i32 to vector<16xi32>
        %mul3A_324 = arith.muli %add3A_272, %mul3A_323 : vector<16xi32>
        %add3A_325 = arith.constant 0 : i32
        %add3A_326 = vector.broadcast %add3A_325 : i32 to vector<16xi32>
        %add3A_327 = arith.addi %add3A_326, %mul3A_324 : vector<16xi32>
        %add3A_328 = arith.addi %add3A_327, %iota3A : vector<16xi32>
        tpu.vector_store_idx %arg6[%add3A_328], %broadcast_in_dim3A_1 {add = true} : memref<28672xi32, #tpu.memory_space<vmem>>[vector<16xi32>], vector<16xi32>,
        %scan3A_329 = arith.constant 0 : i32
        scf.yield %scan3A_329 : i32
      }
      %scan3A_75 = arith.constant 196 : i32
      %scan3A_76 = arith.constant 0 : i32
      %scan3A_77 = arith.constant 0 : i32
      %scan3A_78 = arith.constant 256 : i32
      %scan3A_79 = arith.addi %scan3A_77, %scan3A_78 : i32
      %scan3A_80 = arith.constant 1 : i32
      %scan3A_81 = scf.for %scan3A_108 = %scan3A_77 to %scan3A_79 step %scan3A_80 iter_args(%scan3A_109 = %scan3A_76) -> (i32)  : i32 {
        %mul3A_110 = arith.constant 16 : i32
        %mul3A_111 = arith.muli %scan3A_108, %mul3A_110 : i32
        %add3A_112 = arith.constant 0 : i32
        %add3A_113 = arith.addi %add3A_112, %mul3A_111 : i32
        %get3A = arith.index_cast %add3A_113 : i32 to index
        %get3A_114 = tpu.vector_load %arg6[%get3A] {strides = array<i32>} : memref<28672xi32, #tpu.memory_space<vmem>>, vector<16xi32>,
        %mul3A_115 = arith.constant 16 : i32
        %mul3A_116 = arith.muli %scan3A_108, %mul3A_115 : i32
        %add3A_117 = arith.constant 4096 : i32
        %add3A_118 = arith.addi %add3A_117, %mul3A_116 : i32
        %get3A_119 = arith.index_cast %add3A_118 : i32 to index
        %get3A_120 = tpu.vector_load %arg6[%get3A_119] {strides = array<i32>} : memref<28672xi32, #tpu.memory_space<vmem>>, vector<16xi32>,
        %mul3A_121 = arith.constant 16 : i32
        %mul3A_122 = arith.muli %scan3A_108, %mul3A_121 : i32
        %add3A_123 = arith.constant 8192 : i32
        %add3A_124 = arith.addi %add3A_123, %mul3A_122 : i32
        %get3A_125 = arith.index_cast %add3A_124 : i32 to index
        %get3A_126 = tpu.vector_load %arg6[%get3A_125] {strides = array<i32>} : memref<28672xi32, #tpu.memory_space<vmem>>, vector<16xi32>,
        %mul3A_127 = arith.constant 16 : i32
        %mul3A_128 = arith.muli %scan3A_108, %mul3A_127 : i32
        %add3A_129 = arith.constant 12288 : i32
        %add3A_130 = arith.addi %add3A_129, %mul3A_128 : i32
        %get3A_131 = arith.index_cast %add3A_130 : i32 to index
        %get3A_132 = tpu.vector_load %arg6[%get3A_131] {strides = array<i32>} : memref<28672xi32, #tpu.memory_space<vmem>>, vector<16xi32>,
        %mul3A_133 = arith.constant 16 : i32
        %mul3A_134 = arith.muli %scan3A_108, %mul3A_133 : i32
        %add3A_135 = arith.constant 16384 : i32
        %add3A_136 = arith.addi %add3A_135, %mul3A_134 : i32
        %get3A_137 = arith.index_cast %add3A_136 : i32 to index
        %get3A_138 = tpu.vector_load %arg6[%get3A_137] {strides = array<i32>} : memref<28672xi32, #tpu.memory_space<vmem>>, vector<16xi32>,
        %mul3A_139 = arith.constant 16 : i32
        %mul3A_140 = arith.muli %scan3A_108, %mul3A_139 : i32
        %add3A_141 = arith.constant 20480 : i32
        %add3A_142 = arith.addi %add3A_141, %mul3A_140 : i32
        %get3A_143 = arith.index_cast %add3A_142 : i32 to index
        %get3A_144 = tpu.vector_load %arg6[%get3A_143] {strides = array<i32>} : memref<28672xi32, #tpu.memory_space<vmem>>, vector<16xi32>,
        %mul3A_145 = arith.constant 16 : i32
        %mul3A_146 = arith.muli %scan3A_108, %mul3A_145 : i32
        %add3A_147 = arith.constant 24576 : i32
        %add3A_148 = arith.addi %add3A_147, %mul3A_146 : i32
        %get3A_149 = arith.index_cast %add3A_148 : i32 to index
        %get3A_150 = tpu.vector_load %arg6[%get3A_149] {strides = array<i32>} : memref<28672xi32, #tpu.memory_space<vmem>>, vector<16xi32>,
        %add3A_151 = arith.addi %get3A_114, %get3A_120 : vector<16xi32>
        %add3A_152 = arith.addi %get3A_126, %get3A_132 : vector<16xi32>
        %add3A_153 = arith.addi %add3A_151, %add3A_152 : vector<16xi32>
        %add3A_154 = arith.addi %get3A_138, %get3A_144 : vector<16xi32>
        %add3A_155 = arith.addi %add3A_154, %get3A_150 : vector<16xi32>
        %add3A_156 = arith.addi %add3A_153, %add3A_155 : vector<16xi32>
        %mul3A_157 = arith.constant 16 : i32
        %mul3A_158 = arith.muli %scan3A_108, %mul3A_157 : i32
        %add3A_159 = arith.constant 4096 : i32
        %add3A_160 = arith.addi %add3A_159, %mul3A_158 : i32
        %swap3A = arith.index_cast %add3A_160 : i32 to index
        %swap3A_161 = tpu.vector_load %arg6[%swap3A] {strides = array<i32>} : memref<28672xi32, #tpu.memory_space<vmem>>, vector<16xi32>,
        tpu.vector_store %arg6[%swap3A], %broadcast_in_dim3A_3 {strides = array<i32>} : memref<28672xi32, #tpu.memory_space<vmem>>, vector<16xi32>,
        %mul3A_162 = arith.constant 16 : i32
        %mul3A_163 = arith.muli %scan3A_108, %mul3A_162 : i32
        %add3A_164 = arith.constant 8192 : i32
        %add3A_165 = arith.addi %add3A_164, %mul3A_163 : i32
        %swap3A_166 = arith.index_cast %add3A_165 : i32 to index
        %swap3A_167 = tpu.vector_load %arg6[%swap3A_166] {strides = array<i32>} : memref<28672xi32, #tpu.memory_space<vmem>>, vector<16xi32>,
        tpu.vector_store %arg6[%swap3A_166], %broadcast_in_dim3A_3 {strides = array<i32>} : memref<28672xi32, #tpu.memory_space<vmem>>, vector<16xi32>,
        %mul3A_168 = arith.constant 16 : i32
        %mul3A_169 = arith.muli %scan3A_108, %mul3A_168 : i32
        %add3A_170 = arith.constant 12288 : i32
        %add3A_171 = arith.addi %add3A_170, %mul3A_169 : i32
        %swap3A_172 = arith.index_cast %add3A_171 : i32 to index
        %swap3A_173 = tpu.vector_load %arg6[%swap3A_172] {strides = array<i32>} : memref<28672xi32, #tpu.memory_space<vmem>>, vector<16xi32>,
        tpu.vector_store %arg6[%swap3A_172], %broadcast_in_dim3A_3 {strides = array<i32>} : memref<28672xi32, #tpu.memory_space<vmem>>, vector<16xi32>,
        %mul3A_174 = arith.constant 16 : i32
        %mul3A_175 = arith.muli %scan3A_108, %mul3A_174 : i32
        %add3A_176 = arith.constant 16384 : i32
        %add3A_177 = arith.addi %add3A_176, %mul3A_175 : i32
        %swap3A_178 = arith.index_cast %add3A_177 : i32 to index
        %swap3A_179 = tpu.vector_load %arg6[%swap3A_178] {strides = array<i32>} : memref<28672xi32, #tpu.memory_space<vmem>>, vector<16xi32>,
        tpu.vector_store %arg6[%swap3A_178], %broadcast_in_dim3A_3 {strides = array<i32>} : memref<28672xi32, #tpu.memory_space<vmem>>, vector<16xi32>,
        %mul3A_180 = arith.constant 16 : i32
        %mul3A_181 = arith.muli %scan3A_108, %mul3A_180 : i32
        %add3A_182 = arith.constant 20480 : i32
        %add3A_183 = arith.addi %add3A_182, %mul3A_181 : i32
        %swap3A_184 = arith.index_cast %add3A_183 : i32 to index
        %swap3A_185 = tpu.vector_load %arg6[%swap3A_184] {strides = array<i32>} : memref<28672xi32, #tpu.memory_space<vmem>>, vector<16xi32>,
        tpu.vector_store %arg6[%swap3A_184], %broadcast_in_dim3A_3 {strides = array<i32>} : memref<28672xi32, #tpu.memory_space<vmem>>, vector<16xi32>,
        %mul3A_186 = arith.constant 16 : i32
        %mul3A_187 = arith.muli %scan3A_108, %mul3A_186 : i32
        %add3A_188 = arith.constant 24576 : i32
        %add3A_189 = arith.addi %add3A_188, %mul3A_187 : i32
        %swap3A_190 = arith.index_cast %add3A_189 : i32 to index
        %swap3A_191 = tpu.vector_load %arg6[%swap3A_190] {strides = array<i32>} : memref<28672xi32, #tpu.memory_space<vmem>>, vector<16xi32>,
        tpu.vector_store %arg6[%swap3A_190], %broadcast_in_dim3A_3 {strides = array<i32>} : memref<28672xi32, #tpu.memory_space<vmem>>, vector<16xi32>,
        %mul3A_192 = arith.constant 16 : i32
        %mul3A_193 = arith.muli %scan3A_108, %mul3A_192 : i32
        %swap3A_194 = arith.index_cast %mul3A_193 : i32 to index
        %swap3A_195 = tpu.vector_load %arg6[%swap3A_194] {strides = array<i32>} : memref<28672xi32, #tpu.memory_space<vmem>>, vector<16xi32>,
        tpu.vector_store %arg6[%swap3A_194], %add3A_156 {strides = array<i32>} : memref<28672xi32, #tpu.memory_space<vmem>>, vector<16xi32>,
        %scan3A_196 = arith.constant 0 : i32
        scf.yield %scan3A_196 : i32
      }
      %scan3A_82 = arith.constant 256 : i32
      %scan3A_83 = arith.constant 25088 : i32
      %scan3A_84 = arith.constant 0 : i32
      %scan3A_85 = arith.constant 0 : i32
      %scan3A_86 = arith.constant 0 : i32
      %scan3A_87 = arith.constant 0 : i32
      %scan3A_88 = arith.constant 256 : i32
      %scan3A_89 = arith.addi %scan3A_87, %scan3A_88 : i32
      %scan3A_90 = arith.constant 1 : i32
      %scan3A_91:3 = scf.for %scan3A_108 = %scan3A_87 to %scan3A_89 step %scan3A_90 iter_args(%scan3A_109 = %scan3A_84, %scan3A_110 = %scan3A_85, %scan3A_111 = %scan3A_86) -> (i32, i32, i32)  : i32 {
        %sub3A_112 = arith.constant 255 : i32
        %sub3A_113 = arith.subi %sub3A_112, %scan3A_108 : i32
        %mul3A_114 = arith.constant 16 : i32
        %mul3A_115 = arith.muli %sub3A_113, %mul3A_114 : i32
        %get3A = arith.index_cast %mul3A_115 : i32 to index
        %get3A_116 = tpu.vector_load %arg6[%get3A] {strides = array<i32>} : memref<28672xi32, #tpu.memory_space<vmem>>, vector<16xi32>,
        %reduce_sum3A = arith.constant true
        %reduce_sum3A_117 = vector.broadcast %reduce_sum3A : i1 to vector<16xi1>
        %reduce_sum3A_118 = tpu.scan <sum>, %get3A_116 masked %reduce_sum3A_117 : vector<16xi32>, vector<16xi1> -> vector<16xi32>
        %reduce_sum3A_119 = vector.extract %reduce_sum3A_118[15] : i32 from vector<16xi32>
        %mul3A_120 = arith.constant 16 : i32
        %mul3A_121 = arith.muli %sub3A_113, %mul3A_120 : i32
        %swap3A = arith.index_cast %mul3A_121 : i32 to index
        %swap3A_122 = tpu.vector_load %arg6[%swap3A] {strides = array<i32>} : memref<28672xi32, #tpu.memory_space<vmem>>, vector<16xi32>,
        tpu.vector_store %arg6[%swap3A], %broadcast_in_dim3A_3 {strides = array<i32>} : memref<28672xi32, #tpu.memory_space<vmem>>, vector<16xi32>,
        %add3A_123 = arith.addi %scan3A_109, %reduce_sum3A_119 : i32
        %lt3A = arith.cmpi slt, %scan3A_109, %scan3A_83 : i32
        %ge3A = arith.cmpi sge, %add3A_123, %scan3A_83 : i32
        %and3A = arith.andi %lt3A, %ge3A : i1
        %select_n3A = arith.select %and3A, %sub3A_113, %scan3A_110 : i32
        %select_n3A_124 = arith.select %and3A, %scan3A_109, %scan3A_111 : i32
        scf.yield %add3A_123, %select_n3A, %select_n3A_124 : i32, i32, i32
      }
      %scan3A_92 = arith.constant 256 : i32
      %scan3A_93 = arith.constant 0 : i32
      %scan3A_94 = arith.constant 0 : i32
      %scan3A_95 = arith.constant 392 : i32
      %scan3A_96 = arith.addi %scan3A_94, %scan3A_95 : i32
      %scan3A_97 = arith.constant 1 : i32
      %scan3A_98 = scf.for %scan3A_108 = %scan3A_94 to %scan3A_96 step %scan3A_97 iter_args(%scan3A_109 = %scan3A_93) -> (i32)  : i32 {
        %mul3A_110 = arith.constant 8 : i32
        %mul3A_111 = arith.muli %scan3A_108, %mul3A_110 : i32
        %add3A_112 = arith.constant 0 : i32
        %add3A_113 = arith.addi %mul3A_111, %add3A_112 : i32
        %mul3A_114 = arith.constant 16 : i32
        %mul3A_115 = arith.muli %add3A_113, %mul3A_114 : i32
        %get3A = arith.index_cast %mul3A_115 : i32 to index
        %get3A_116 = tpu.vector_load %arg4[%get3A] {strides = array<i32>} : memref<50192xi32, #tpu.memory_space<vmem>>, vector<16xi32>,
        %broadcast_in_dim3A_117 = arith.constant 2147483647 : i32
        %broadcast_in_dim3A_118 = vector.broadcast %broadcast_in_dim3A_117 : i32 to vector<16xi32>
        %ge3A = arith.constant 0 : i32
        %ge3A_119 = vector.broadcast %ge3A : i32 to vector<16xi32>
        %ge3A_120 = arith.cmpi sge, %get3A_116, %ge3A_119 : vector<16xi32>
        %xor3A = arith.xori %get3A_116, %broadcast_in_dim3A_118 : vector<16xi32>
        %select_n3A = arith.select %ge3A_120, %get3A_116, %xor3A : vector<16xi1>, vector<16xi32>
        %shift_right_arithmetic3A = arith.constant 24 : i32
        %shift_right_arithmetic3A_121 = vector.broadcast %shift_right_arithmetic3A : i32 to vector<16xi32>
        %shift_right_arithmetic3A_122 = arith.shrsi %select_n3A, %shift_right_arithmetic3A_121 : vector<16xi32>
        %add3A_123 = arith.constant 128 : i32
        %add3A_124 = vector.broadcast %add3A_123 : i32 to vector<16xi32>
        %add3A_125 = arith.addi %shift_right_arithmetic3A_122, %add3A_124 : vector<16xi32>
        %eq3A = vector.broadcast %scan3A_91#1 : i32 to vector<16xi32>
        %eq3A_126 = arith.cmpi eq, %add3A_125, %eq3A : vector<16xi32>
        %mul3A_127 = arith.constant 8 : i32
        %mul3A_128 = arith.muli %scan3A_108, %mul3A_127 : i32
        %add3A_129 = arith.constant 1 : i32
        %add3A_130 = arith.addi %mul3A_128, %add3A_129 : i32
        %mul3A_131 = arith.constant 16 : i32
        %mul3A_132 = arith.muli %add3A_130, %mul3A_131 : i32
        %get3A_133 = arith.index_cast %mul3A_132 : i32 to index
        %get3A_134 = tpu.vector_load %arg4[%get3A_133] {strides = array<i32>} : memref<50192xi32, #tpu.memory_space<vmem>>, vector<16xi32>,
        %broadcast_in_dim3A_135 = arith.constant 2147483647 : i32
        %broadcast_in_dim3A_136 = vector.broadcast %broadcast_in_dim3A_135 : i32 to vector<16xi32>
        %ge3A_137 = arith.constant 0 : i32
        %ge3A_138 = vector.broadcast %ge3A_137 : i32 to vector<16xi32>
        %ge3A_139 = arith.cmpi sge, %get3A_134, %ge3A_138 : vector<16xi32>
        %xor3A_140 = arith.xori %get3A_134, %broadcast_in_dim3A_136 : vector<16xi32>
        %select_n3A_141 = arith.select %ge3A_139, %get3A_134, %xor3A_140 : vector<16xi1>, vector<16xi32>
        %shift_right_arithmetic3A_142 = arith.constant 24 : i32
        %shift_right_arithmetic3A_143 = vector.broadcast %shift_right_arithmetic3A_142 : i32 to vector<16xi32>
        %shift_right_arithmetic3A_144 = arith.shrsi %select_n3A_141, %shift_right_arithmetic3A_143 : vector<16xi32>
        %add3A_145 = arith.constant 128 : i32
        %add3A_146 = vector.broadcast %add3A_145 : i32 to vector<16xi32>
        %add3A_147 = arith.addi %shift_right_arithmetic3A_144, %add3A_146 : vector<16xi32>
        %eq3A_148 = vector.broadcast %scan3A_91#1 : i32 to vector<16xi32>
        %eq3A_149 = arith.cmpi eq, %add3A_147, %eq3A_148 : vector<16xi32>
        %mul3A_150 = arith.constant 8 : i32
        %mul3A_151 = arith.muli %scan3A_108, %mul3A_150 : i32
        %add3A_152 = arith.constant 2 : i32
        %add3A_153 = arith.addi %mul3A_151, %add3A_152 : i32
        %mul3A_154 = arith.constant 16 : i32
        %mul3A_155 = arith.muli %add3A_153, %mul3A_154 : i32
        %get3A_156 = arith.index_cast %mul3A_155 : i32 to index
        %get3A_157 = tpu.vector_load %arg4[%get3A_156] {strides = array<i32>} : memref<50192xi32, #tpu.memory_space<vmem>>, vector<16xi32>,
        %broadcast_in_dim3A_158 = arith.constant 2147483647 : i32
        %broadcast_in_dim3A_159 = vector.broadcast %broadcast_in_dim3A_158 : i32 to vector<16xi32>
        %ge3A_160 = arith.constant 0 : i32
        %ge3A_161 = vector.broadcast %ge3A_160 : i32 to vector<16xi32>
        %ge3A_162 = arith.cmpi sge, %get3A_157, %ge3A_161 : vector<16xi32>
        %xor3A_163 = arith.xori %get3A_157, %broadcast_in_dim3A_159 : vector<16xi32>
        %select_n3A_164 = arith.select %ge3A_162, %get3A_157, %xor3A_163 : vector<16xi1>, vector<16xi32>
        %shift_right_arithmetic3A_165 = arith.constant 24 : i32
        %shift_right_arithmetic3A_166 = vector.broadcast %shift_right_arithmetic3A_165 : i32 to vector<16xi32>
        %shift_right_arithmetic3A_167 = arith.shrsi %select_n3A_164, %shift_right_arithmetic3A_166 : vector<16xi32>
        %add3A_168 = arith.constant 128 : i32
        %add3A_169 = vector.broadcast %add3A_168 : i32 to vector<16xi32>
        %add3A_170 = arith.addi %shift_right_arithmetic3A_167, %add3A_169 : vector<16xi32>
        %eq3A_171 = vector.broadcast %scan3A_91#1 : i32 to vector<16xi32>
        %eq3A_172 = arith.cmpi eq, %add3A_170, %eq3A_171 : vector<16xi32>
        %mul3A_173 = arith.constant 8 : i32
        %mul3A_174 = arith.muli %scan3A_108, %mul3A_173 : i32
        %add3A_175 = arith.constant 3 : i32
        %add3A_176 = arith.addi %mul3A_174, %add3A_175 : i32
        %mul3A_177 = arith.constant 16 : i32
        %mul3A_178 = arith.muli %add3A_176, %mul3A_177 : i32
        %get3A_179 = arith.index_cast %mul3A_178 : i32 to index
        %get3A_180 = tpu.vector_load %arg4[%get3A_179] {strides = array<i32>} : memref<50192xi32, #tpu.memory_space<vmem>>, vector<16xi32>,
        %broadcast_in_dim3A_181 = arith.constant 2147483647 : i32
        %broadcast_in_dim3A_182 = vector.broadcast %broadcast_in_dim3A_181 : i32 to vector<16xi32>
        %ge3A_183 = arith.constant 0 : i32
        %ge3A_184 = vector.broadcast %ge3A_183 : i32 to vector<16xi32>
        %ge3A_185 = arith.cmpi sge, %get3A_180, %ge3A_184 : vector<16xi32>
        %xor3A_186 = arith.xori %get3A_180, %broadcast_in_dim3A_182 : vector<16xi32>
        %select_n3A_187 = arith.select %ge3A_185, %get3A_180, %xor3A_186 : vector<16xi1>, vector<16xi32>
        %shift_right_arithmetic3A_188 = arith.constant 24 : i32
        %shift_right_arithmetic3A_189 = vector.broadcast %shift_right_arithmetic3A_188 : i32 to vector<16xi32>
        %shift_right_arithmetic3A_190 = arith.shrsi %select_n3A_187, %shift_right_arithmetic3A_189 : vector<16xi32>
        %add3A_191 = arith.constant 128 : i32
        %add3A_192 = vector.broadcast %add3A_191 : i32 to vector<16xi32>
        %add3A_193 = arith.addi %shift_right_arithmetic3A_190, %add3A_192 : vector<16xi32>
        %eq3A_194 = vector.broadcast %scan3A_91#1 : i32 to vector<16xi32>
        %eq3A_195 = arith.cmpi eq, %add3A_193, %eq3A_194 : vector<16xi32>
        %mul3A_196 = arith.constant 8 : i32
        %mul3A_197 = arith.muli %scan3A_108, %mul3A_196 : i32
        %add3A_198 = arith.constant 4 : i32
        %add3A_199 = arith.addi %mul3A_197, %add3A_198 : i32
        %mul3A_200 = arith.constant 16 : i32
        %mul3A_201 = arith.muli %add3A_199, %mul3A_200 : i32
        %get3A_202 = arith.index_cast %mul3A_201 : i32 to index
        %get3A_203 = tpu.vector_load %arg4[%get3A_202] {strides = array<i32>} : memref<50192xi32, #tpu.memory_space<vmem>>, vector<16xi32>,
        %broadcast_in_dim3A_204 = arith.constant 2147483647 : i32
        %broadcast_in_dim3A_205 = vector.broadcast %broadcast_in_dim3A_204 : i32 to vector<16xi32>
        %ge3A_206 = arith.constant 0 : i32
        %ge3A_207 = vector.broadcast %ge3A_206 : i32 to vector<16xi32>
        %ge3A_208 = arith.cmpi sge, %get3A_203, %ge3A_207 : vector<16xi32>
        %xor3A_209 = arith.xori %get3A_203, %broadcast_in_dim3A_205 : vector<16xi32>
        %select_n3A_210 = arith.select %ge3A_208, %get3A_203, %xor3A_209 : vector<16xi1>, vector<16xi32>
        %shift_right_arithmetic3A_211 = arith.constant 24 : i32
        %shift_right_arithmetic3A_212 = vector.broadcast %shift_right_arithmetic3A_211 : i32 to vector<16xi32>
        %shift_right_arithmetic3A_213 = arith.shrsi %select_n3A_210, %shift_right_arithmetic3A_212 : vector<16xi32>
        %add3A_214 = arith.constant 128 : i32
        %add3A_215 = vector.broadcast %add3A_214 : i32 to vector<16xi32>
        %add3A_216 = arith.addi %shift_right_arithmetic3A_213, %add3A_215 : vector<16xi32>
        %eq3A_217 = vector.broadcast %scan3A_91#1 : i32 to vector<16xi32>
        %eq3A_218 = arith.cmpi eq, %add3A_216, %eq3A_217 : vector<16xi32>
        %mul3A_219 = arith.constant 8 : i32
        %mul3A_220 = arith.muli %scan3A_108, %mul3A_219 : i32
        %add3A_221 = arith.constant 5 : i32
        %add3A_222 = arith.addi %mul3A_220, %add3A_221 : i32
        %mul3A_223 = arith.constant 16 : i32
        %mul3A_224 = arith.muli %add3A_222, %mul3A_223 : i32
        %get3A_225 = arith.index_cast %mul3A_224 : i32 to index
        %get3A_226 = tpu.vector_load %arg4[%get3A_225] {strides = array<i32>} : memref<50192xi32, #tpu.memory_space<vmem>>, vector<16xi32>,
        %broadcast_in_dim3A_227 = arith.constant 2147483647 : i32
        %broadcast_in_dim3A_228 = vector.broadcast %broadcast_in_dim3A_227 : i32 to vector<16xi32>
        %ge3A_229 = arith.constant 0 : i32
        %ge3A_230 = vector.broadcast %ge3A_229 : i32 to vector<16xi32>
        %ge3A_231 = arith.cmpi sge, %get3A_226, %ge3A_230 : vector<16xi32>
        %xor3A_232 = arith.xori %get3A_226, %broadcast_in_dim3A_228 : vector<16xi32>
        %select_n3A_233 = arith.select %ge3A_231, %get3A_226, %xor3A_232 : vector<16xi1>, vector<16xi32>
        %shift_right_arithmetic3A_234 = arith.constant 24 : i32
        %shift_right_arithmetic3A_235 = vector.broadcast %shift_right_arithmetic3A_234 : i32 to vector<16xi32>
        %shift_right_arithmetic3A_236 = arith.shrsi %select_n3A_233, %shift_right_arithmetic3A_235 : vector<16xi32>
        %add3A_237 = arith.constant 128 : i32
        %add3A_238 = vector.broadcast %add3A_237 : i32 to vector<16xi32>
        %add3A_239 = arith.addi %shift_right_arithmetic3A_236, %add3A_238 : vector<16xi32>
        %eq3A_240 = vector.broadcast %scan3A_91#1 : i32 to vector<16xi32>
        %eq3A_241 = arith.cmpi eq, %add3A_239, %eq3A_240 : vector<16xi32>
        %mul3A_242 = arith.constant 8 : i32
        %mul3A_243 = arith.muli %scan3A_108, %mul3A_242 : i32
        %add3A_244 = arith.constant 6 : i32
        %add3A_245 = arith.addi %mul3A_243, %add3A_244 : i32
        %mul3A_246 = arith.constant 16 : i32
        %mul3A_247 = arith.muli %add3A_245, %mul3A_246 : i32
        %get3A_248 = arith.index_cast %mul3A_247 : i32 to index
        %get3A_249 = tpu.vector_load %arg4[%get3A_248] {strides = array<i32>} : memref<50192xi32, #tpu.memory_space<vmem>>, vector<16xi32>,
        %broadcast_in_dim3A_250 = arith.constant 2147483647 : i32
        %broadcast_in_dim3A_251 = vector.broadcast %broadcast_in_dim3A_250 : i32 to vector<16xi32>
        %ge3A_252 = arith.constant 0 : i32
        %ge3A_253 = vector.broadcast %ge3A_252 : i32 to vector<16xi32>
        %ge3A_254 = arith.cmpi sge, %get3A_249, %ge3A_253 : vector<16xi32>
        %xor3A_255 = arith.xori %get3A_249, %broadcast_in_dim3A_251 : vector<16xi32>
        %select_n3A_256 = arith.select %ge3A_254, %get3A_249, %xor3A_255 : vector<16xi1>, vector<16xi32>
        %shift_right_arithmetic3A_257 = arith.constant 24 : i32
        %shift_right_arithmetic3A_258 = vector.broadcast %shift_right_arithmetic3A_257 : i32 to vector<16xi32>
        %shift_right_arithmetic3A_259 = arith.shrsi %select_n3A_256, %shift_right_arithmetic3A_258 : vector<16xi32>
        %add3A_260 = arith.constant 128 : i32
        %add3A_261 = vector.broadcast %add3A_260 : i32 to vector<16xi32>
        %add3A_262 = arith.addi %shift_right_arithmetic3A_259, %add3A_261 : vector<16xi32>
        %eq3A_263 = vector.broadcast %scan3A_91#1 : i32 to vector<16xi32>
        %eq3A_264 = arith.cmpi eq, %add3A_262, %eq3A_263 : vector<16xi32>
        %mul3A_265 = arith.constant 8 : i32
        %mul3A_266 = arith.muli %scan3A_108, %mul3A_265 : i32
        %add3A_267 = arith.constant 7 : i32
        %add3A_268 = arith.addi %mul3A_266, %add3A_267 : i32
        %mul3A_269 = arith.constant 16 : i32
        %mul3A_270 = arith.muli %add3A_268, %mul3A_269 : i32
        %get3A_271 = arith.index_cast %mul3A_270 : i32 to index
        %get3A_272 = tpu.vector_load %arg4[%get3A_271] {strides = array<i32>} : memref<50192xi32, #tpu.memory_space<vmem>>, vector<16xi32>,
        %broadcast_in_dim3A_273 = arith.constant 2147483647 : i32
        %broadcast_in_dim3A_274 = vector.broadcast %broadcast_in_dim3A_273 : i32 to vector<16xi32>
        %ge3A_275 = arith.constant 0 : i32
        %ge3A_276 = vector.broadcast %ge3A_275 : i32 to vector<16xi32>
        %ge3A_277 = arith.cmpi sge, %get3A_272, %ge3A_276 : vector<16xi32>
        %xor3A_278 = arith.xori %get3A_272, %broadcast_in_dim3A_274 : vector<16xi32>
        %select_n3A_279 = arith.select %ge3A_277, %get3A_272, %xor3A_278 : vector<16xi1>, vector<16xi32>
        %shift_right_arithmetic3A_280 = arith.constant 24 : i32
        %shift_right_arithmetic3A_281 = vector.broadcast %shift_right_arithmetic3A_280 : i32 to vector<16xi32>
        %shift_right_arithmetic3A_282 = arith.shrsi %select_n3A_279, %shift_right_arithmetic3A_281 : vector<16xi32>
        %add3A_283 = arith.constant 128 : i32
        %add3A_284 = vector.broadcast %add3A_283 : i32 to vector<16xi32>
        %add3A_285 = arith.addi %shift_right_arithmetic3A_282, %add3A_284 : vector<16xi32>
        %eq3A_286 = vector.broadcast %scan3A_91#1 : i32 to vector<16xi32>
        %eq3A_287 = arith.cmpi eq, %add3A_285, %eq3A_286 : vector<16xi32>
        %convert_element_type3A_288 = arith.extui %eq3A_126 : vector<16xi1> to vector<16xi32>
        %reduce_sum3A = arith.constant true
        %reduce_sum3A_289 = vector.broadcast %reduce_sum3A : i1 to vector<16xi1>
        %reduce_sum3A_290 = tpu.scan <sum>, %convert_element_type3A_288 masked %reduce_sum3A_289 : vector<16xi32>, vector<16xi1> -> vector<16xi32>
        %reduce_sum3A_291 = vector.extract %reduce_sum3A_290[15] : i32 from vector<16xi32>
        %convert_element_type3A_292 = arith.extui %eq3A_149 : vector<16xi1> to vector<16xi32>
        %reduce_sum3A_293 = arith.constant true
        %reduce_sum3A_294 = vector.broadcast %reduce_sum3A_293 : i1 to vector<16xi1>
        %reduce_sum3A_295 = tpu.scan <sum>, %convert_element_type3A_292 masked %reduce_sum3A_294 : vector<16xi32>, vector<16xi1> -> vector<16xi32>
        %reduce_sum3A_296 = vector.extract %reduce_sum3A_295[15] : i32 from vector<16xi32>
        %convert_element_type3A_297 = arith.extui %eq3A_172 : vector<16xi1> to vector<16xi32>
        %reduce_sum3A_298 = arith.constant true
        %reduce_sum3A_299 = vector.broadcast %reduce_sum3A_298 : i1 to vector<16xi1>
        %reduce_sum3A_300 = tpu.scan <sum>, %convert_element_type3A_297 masked %reduce_sum3A_299 : vector<16xi32>, vector<16xi1> -> vector<16xi32>
        %reduce_sum3A_301 = vector.extract %reduce_sum3A_300[15] : i32 from vector<16xi32>
        %convert_element_type3A_302 = arith.extui %eq3A_195 : vector<16xi1> to vector<16xi32>
        %reduce_sum3A_303 = arith.constant true
        %reduce_sum3A_304 = vector.broadcast %reduce_sum3A_303 : i1 to vector<16xi1>
        %reduce_sum3A_305 = tpu.scan <sum>, %convert_element_type3A_302 masked %reduce_sum3A_304 : vector<16xi32>, vector<16xi1> -> vector<16xi32>
        %reduce_sum3A_306 = vector.extract %reduce_sum3A_305[15] : i32 from vector<16xi32>
        %convert_element_type3A_307 = arith.extui %eq3A_218 : vector<16xi1> to vector<16xi32>
        %reduce_sum3A_308 = arith.constant true
        %reduce_sum3A_309 = vector.broadcast %reduce_sum3A_308 : i1 to vector<16xi1>
        %reduce_sum3A_310 = tpu.scan <sum>, %convert_element_type3A_307 masked %reduce_sum3A_309 : vector<16xi32>, vector<16xi1> -> vector<16xi32>
        %reduce_sum3A_311 = vector.extract %reduce_sum3A_310[15] : i32 from vector<16xi32>
        %convert_element_type3A_312 = arith.extui %eq3A_241 : vector<16xi1> to vector<16xi32>
        %reduce_sum3A_313 = arith.constant true
        %reduce_sum3A_314 = vector.broadcast %reduce_sum3A_313 : i1 to vector<16xi1>
        %reduce_sum3A_315 = tpu.scan <sum>, %convert_element_type3A_312 masked %reduce_sum3A_314 : vector<16xi32>, vector<16xi1> -> vector<16xi32>
        %reduce_sum3A_316 = vector.extract %reduce_sum3A_315[15] : i32 from vector<16xi32>
        %convert_element_type3A_317 = arith.extui %eq3A_264 : vector<16xi1> to vector<16xi32>
        %reduce_sum3A_318 = arith.constant true
        %reduce_sum3A_319 = vector.broadcast %reduce_sum3A_318 : i1 to vector<16xi1>
        %reduce_sum3A_320 = tpu.scan <sum>, %convert_element_type3A_317 masked %reduce_sum3A_319 : vector<16xi32>, vector<16xi1> -> vector<16xi32>
        %reduce_sum3A_321 = vector.extract %reduce_sum3A_320[15] : i32 from vector<16xi32>
        %convert_element_type3A_322 = arith.extui %eq3A_287 : vector<16xi1> to vector<16xi32>
        %reduce_sum3A_323 = arith.constant true
        %reduce_sum3A_324 = vector.broadcast %reduce_sum3A_323 : i1 to vector<16xi1>
        %reduce_sum3A_325 = tpu.scan <sum>, %convert_element_type3A_322 masked %reduce_sum3A_324 : vector<16xi32>, vector<16xi1> -> vector<16xi32>
        %reduce_sum3A_326 = vector.extract %reduce_sum3A_325[15] : i32 from vector<16xi32>
        %swap3A = arith.index_cast %scan3A_109 : i32 to index
        %swap3A_327 = tpu.vector_load %arg5[%swap3A] masked %eq3A_126 {strides = array<i32>} : memref<50192xi32, #tpu.memory_space<vmem>>, vector<16xi32>, vector<16xi1>
        tpu.vector_store %arg5[%swap3A], %select_n3A masked %eq3A_126 {strides = array<i32>} : memref<50192xi32, #tpu.memory_space<vmem>>, vector<16xi32>, vector<16xi1>
        %add3A_328 = arith.addi %scan3A_109, %reduce_sum3A_291 : i32
        %swap3A_329 = arith.index_cast %add3A_328 : i32 to index
        %swap3A_330 = tpu.vector_load %arg5[%swap3A_329] masked %eq3A_149 {strides = array<i32>} : memref<50192xi32, #tpu.memory_space<vmem>>, vector<16xi32>, vector<16xi1>
        tpu.vector_store %arg5[%swap3A_329], %select_n3A_141 masked %eq3A_149 {strides = array<i32>} : memref<50192xi32, #tpu.memory_space<vmem>>, vector<16xi32>, vector<16xi1>
        %add3A_331 = arith.addi %add3A_328, %reduce_sum3A_296 : i32
        %swap3A_332 = arith.index_cast %add3A_331 : i32 to index
        %swap3A_333 = tpu.vector_load %arg5[%swap3A_332] masked %eq3A_172 {strides = array<i32>} : memref<50192xi32, #tpu.memory_space<vmem>>, vector<16xi32>, vector<16xi1>
        tpu.vector_store %arg5[%swap3A_332], %select_n3A_164 masked %eq3A_172 {strides = array<i32>} : memref<50192xi32, #tpu.memory_space<vmem>>, vector<16xi32>, vector<16xi1>
        %add3A_334 = arith.addi %add3A_331, %reduce_sum3A_301 : i32
        %swap3A_335 = arith.index_cast %add3A_334 : i32 to index
        %swap3A_336 = tpu.vector_load %arg5[%swap3A_335] masked %eq3A_195 {strides = array<i32>} : memref<50192xi32, #tpu.memory_space<vmem>>, vector<16xi32>, vector<16xi1>
        tpu.vector_store %arg5[%swap3A_335], %select_n3A_187 masked %eq3A_195 {strides = array<i32>} : memref<50192xi32, #tpu.memory_space<vmem>>, vector<16xi32>, vector<16xi1>
        %add3A_337 = arith.addi %add3A_334, %reduce_sum3A_306 : i32
        %swap3A_338 = arith.index_cast %add3A_337 : i32 to index
        %swap3A_339 = tpu.vector_load %arg5[%swap3A_338] masked %eq3A_218 {strides = array<i32>} : memref<50192xi32, #tpu.memory_space<vmem>>, vector<16xi32>, vector<16xi1>
        tpu.vector_store %arg5[%swap3A_338], %select_n3A_210 masked %eq3A_218 {strides = array<i32>} : memref<50192xi32, #tpu.memory_space<vmem>>, vector<16xi32>, vector<16xi1>
        %add3A_340 = arith.addi %add3A_337, %reduce_sum3A_311 : i32
        %swap3A_341 = arith.index_cast %add3A_340 : i32 to index
        %swap3A_342 = tpu.vector_load %arg5[%swap3A_341] masked %eq3A_241 {strides = array<i32>} : memref<50192xi32, #tpu.memory_space<vmem>>, vector<16xi32>, vector<16xi1>
        tpu.vector_store %arg5[%swap3A_341], %select_n3A_233 masked %eq3A_241 {strides = array<i32>} : memref<50192xi32, #tpu.memory_space<vmem>>, vector<16xi32>, vector<16xi1>
        %add3A_343 = arith.addi %add3A_340, %reduce_sum3A_316 : i32
        %swap3A_344 = arith.index_cast %add3A_343 : i32 to index
        %swap3A_345 = tpu.vector_load %arg5[%swap3A_344] masked %eq3A_264 {strides = array<i32>} : memref<50192xi32, #tpu.memory_space<vmem>>, vector<16xi32>, vector<16xi1>
        tpu.vector_store %arg5[%swap3A_344], %select_n3A_256 masked %eq3A_264 {strides = array<i32>} : memref<50192xi32, #tpu.memory_space<vmem>>, vector<16xi32>, vector<16xi1>
        %add3A_346 = arith.addi %add3A_343, %reduce_sum3A_321 : i32
        %swap3A_347 = arith.index_cast %add3A_346 : i32 to index
        %swap3A_348 = tpu.vector_load %arg5[%swap3A_347] masked %eq3A_287 {strides = array<i32>} : memref<50192xi32, #tpu.memory_space<vmem>>, vector<16xi32>, vector<16xi1>
        tpu.vector_store %arg5[%swap3A_347], %select_n3A_279 masked %eq3A_287 {strides = array<i32>} : memref<50192xi32, #tpu.memory_space<vmem>>, vector<16xi32>, vector<16xi1>
        %add3A_349 = arith.addi %add3A_346, %reduce_sum3A_326 : i32
        scf.yield %add3A_349 : i32
      }
      %scan3A_99 = arith.constant 392 : i32
      %sub3A = arith.constant 25088 : i32
      %sub3A_100 = arith.subi %sub3A, %scan3A_91#2 : i32
      %le3A = arith.constant 16 : i32
      %le3A_101 = arith.cmpi sle, %scan3A_98, %le3A : i32
      %convert_element_type3A = arith.extui %le3A_101 : i1 to i32
      %cond3A = arith.constant 0 : i32
      %cond3A_102 = arith.cmpi ne, %convert_element_type3A, %cond3A : i32
      scf.if %cond3A_102 {
        %get3A = arith.constant 0 : index
        %get3A_108 = tpu.vector_load %arg5[%get3A] {strides = array<i32>} : memref<50192xi32, #tpu.memory_space<vmem>>, vector<16xi32>,
        %broadcast_in_dim3A_109 = arith.constant -2147483648 : i32
        %broadcast_in_dim3A_110 = vector.broadcast %broadcast_in_dim3A_109 : i32 to vector<16xi32>
        %lt3A = vector.broadcast %scan3A_98 : i32 to vector<16xi32>
        %lt3A_111 = arith.cmpi slt, %iota3A, %lt3A : vector<16xi32>
        %select_n3A = arith.select %lt3A_111, %get3A_108, %broadcast_in_dim3A_110 : vector<16xi1>, vector<16xi32>
        %masked_sort3A = arith.constant dense<true> : vector<16xi1>
        %masked_sort3A_112 = arith.constant -2147483648 : i32
        %masked_sort3A_113 = vector.broadcast %masked_sort3A_112 : i32 to vector<16xi32>
        %masked_sort3A_114 = arith.xori %select_n3A, %masked_sort3A_113 : vector<16xi32>
        %masked_sort3A_115, %masked_sort3A_116, %masked_sort3A_117 = tpu.sort %masked_sort3A_114, %select_n3A masked %masked_sort3A {descending = true} : (vector<16xi32>, vector<16xi32>, vector<16xi1>) -> (vector<16xi1>, vector<16xi32>, vector<16xi32>)
        %masked_sort3A_118 = arith.xori %masked_sort3A_116, %masked_sort3A_113 : vector<16xi32>
        %sub3A_119 = arith.constant 1 : i32
        %sub3A_120 = arith.subi %sub3A_100, %sub3A_119 : i32
        %eq3A = vector.broadcast %sub3A_120 : i32 to vector<16xi32>
        %eq3A_121 = arith.cmpi eq, %iota3A, %eq3A : vector<16xi32>
        %jit3A = arith.constant 0 : i32
        %broadcast_in_dim3A_122 = vector.broadcast %jit3A : i32 to vector<16xi32>
        %select_n3A_123 = arith.select %eq3A_121, %masked_sort3A_118, %broadcast_in_dim3A_122 : vector<16xi1>, vector<16xi32>
        %reduce_sum3A = arith.constant true
        %reduce_sum3A_124 = vector.broadcast %reduce_sum3A : i1 to vector<16xi1>
        %reduce_sum3A_125 = tpu.scan <sum>, %select_n3A_123 masked %reduce_sum3A_124 : vector<16xi32>, vector<16xi1> -> vector<16xi32>
        %reduce_sum3A_126 = vector.extract %reduce_sum3A_125[15] : i32 from vector<16xi32>
        %broadcast_in_dim3A_127 = vector.broadcast %scan3A_19 : i32 to vector<16xi32>
        %broadcast_in_dim3A_128 = vector.broadcast %reduce_sum3A_126 : i32 to vector<16xi32>
        %eq3A_129 = arith.constant 0 : i32
        %eq3A_130 = vector.broadcast %eq3A_129 : i32 to vector<16xi32>
        %eq3A_131 = arith.cmpi eq, %iota3A, %eq3A_130 : vector<16xi32>
        tpu.vector_store_idx %arg7[%broadcast_in_dim3A_127], %broadcast_in_dim3A_128 masked %eq3A_131 : memref<48xi32, #tpu.memory_space<vmem>>[vector<16xi32>], vector<16xi32>, vector<16xi1>
      } else {
      }
      %gt3A = arith.constant 16 : i32
      %gt3A_103 = arith.cmpi sgt, %scan3A_98, %gt3A : i32
      %convert_element_type3A_104 = arith.extui %gt3A_103 : i1 to i32
      %cond3A_105 = arith.constant 0 : i32
      %cond3A_106 = arith.cmpi ne, %convert_element_type3A_104, %cond3A_105 : i32
      scf.if %cond3A_106 {
        %add3A_108 = arith.constant 15 : i32
        %add3A_109 = arith.addi %scan3A_98, %add3A_108 : i32
        %jit3A = arith.constant 16 : i32
        %div3A = arith.divsi %add3A_109, %jit3A : i32
        %sign3A = arith.constant 0 : i32
        %sign3A_110 = arith.cmpi sgt, %add3A_109, %sign3A : i32
        %sign3A_111 = arith.extui %sign3A_110 : i1 to i32
        %sign3A_112 = arith.constant 0 : i32
        %sign3A_113 = arith.cmpi slt, %add3A_109, %sign3A_112 : i32
        %sign3A_114 = arith.extui %sign3A_113 : i1 to i32
        %sign3A_115 = arith.subi %sign3A_111, %sign3A_114 : i32
        %sign3A_116 = arith.constant 0 : i32
        %sign3A_117 = arith.cmpi sgt, %jit3A, %sign3A_116 : i32
        %sign3A_118 = arith.extui %sign3A_117 : i1 to i32
        %sign3A_119 = arith.constant 0 : i32
        %sign3A_120 = arith.cmpi slt, %jit3A, %sign3A_119 : i32
        %sign3A_121 = arith.extui %sign3A_120 : i1 to i32
        %sign3A_122 = arith.subi %sign3A_118, %sign3A_121 : i32
        %ne3A = arith.cmpi ne, %sign3A_115, %sign3A_122 : i32
        %rem3A = arith.remsi %add3A_109, %jit3A : i32
        %ne3A_123 = arith.constant 0 : i32
        %ne3A_124 = arith.cmpi ne, %rem3A, %ne3A_123 : i32
        %and3A = arith.andi %ne3A, %ne3A_124 : i1
        %sub3A_125 = arith.constant 1 : i32
        %sub3A_126 = arith.subi %div3A, %sub3A_125 : i32
        %select_n3A = arith.select %and3A, %sub3A_126, %div3A : i32
        %while3A = arith.constant 0 : i32
        %while3A_127 = arith.constant 0 : i32
        %while3A_128 = arith.subi %select_n3A, %while3A : i32
        %while3A_129 = arith.addi %while3A, %while3A_128 : i32
        %while3A_130 = arith.constant 1 : i32
        %while3A_131 = arith.divsi %while3A_128, %while3A_130 : i32
        %while3A_132 = arith.muli %while3A_131, %while3A_130 : i32
        %while3A_133 = arith.addi %while3A, %while3A_132 : i32
        %while3A_134 = arith.constant 1 : i32
        %while3A_135 = scf.for %while3A_281 = %while3A to %while3A_133 step %while3A_134 iter_args(%while3A_282 = %while3A_127) -> (i32)  : i32 {
          %mul3A_283 = arith.constant 16 : i32
          %mul3A_284 = arith.muli %while3A_281, %mul3A_283 : i32
          %get3A = arith.index_cast %mul3A_284 : i32 to index
          %get3A_285 = tpu.vector_load %arg5[%get3A] {strides = array<i32>} : memref<50192xi32, #tpu.memory_space<vmem>>, vector<16xi32>,
          %shift_right_arithmetic3A = arith.constant 16 : i32
          %shift_right_arithmetic3A_286 = vector.broadcast %shift_right_arithmetic3A : i32 to vector<16xi32>
          %shift_right_arithmetic3A_287 = arith.shrsi %get3A_285, %shift_right_arithmetic3A_286 : vector<16xi32>
          %and3A_288 = arith.constant 255 : i32
          %and3A_289 = vector.broadcast %and3A_288 : i32 to vector<16xi32>
          %and3A_290 = arith.andi %shift_right_arithmetic3A_287, %and3A_289 : vector<16xi32>
          %mul3A_291 = arith.constant 16 : i32
          %mul3A_292 = vector.broadcast %mul3A_291 : i32 to vector<16xi32>
          %mul3A_293 = arith.muli %and3A_290, %mul3A_292 : vector<16xi32>
          %add3A_294 = arith.addi %mul3A_293, %iota3A : vector<16xi32>
          %mul3A_295 = arith.constant 16 : i32
          %mul3A_296 = arith.muli %while3A_281, %mul3A_295 : i32
          %add3A_297 = vector.broadcast %mul3A_296 : i32 to vector<16xi32>
          %add3A_298 = arith.addi %add3A_297, %iota3A : vector<16xi32>
          %lt3A = vector.broadcast %scan3A_98 : i32 to vector<16xi32>
          %lt3A_299 = arith.cmpi slt, %add3A_298, %lt3A : vector<16xi32>
          tpu.vector_store_idx %arg6[%add3A_294], %broadcast_in_dim3A_1 masked %lt3A_299 {add = true} : memref<28672xi32, #tpu.memory_space<vmem>>[vector<16xi32>], vector<16xi32>, vector<16xi1>
          %while3A_300 = arith.constant 0 : i32
          scf.yield %while3A_300 : i32
        }
        %while3A_136 = arith.constant 1 : i32
        %while3A_137 = scf.for %while3A_281 = %while3A_133 to %while3A_129 step %while3A_136 iter_args(%while3A_282 = %while3A_135) -> (i32)  : i32 {
          %mul3A_283 = arith.constant 16 : i32
          %mul3A_284 = arith.muli %while3A_281, %mul3A_283 : i32
          %get3A = arith.index_cast %mul3A_284 : i32 to index
          %get3A_285 = tpu.vector_load %arg5[%get3A] {strides = array<i32>} : memref<50192xi32, #tpu.memory_space<vmem>>, vector<16xi32>,
          %shift_right_arithmetic3A = arith.constant 16 : i32
          %shift_right_arithmetic3A_286 = vector.broadcast %shift_right_arithmetic3A : i32 to vector<16xi32>
          %shift_right_arithmetic3A_287 = arith.shrsi %get3A_285, %shift_right_arithmetic3A_286 : vector<16xi32>
          %and3A_288 = arith.constant 255 : i32
          %and3A_289 = vector.broadcast %and3A_288 : i32 to vector<16xi32>
          %and3A_290 = arith.andi %shift_right_arithmetic3A_287, %and3A_289 : vector<16xi32>
          %mul3A_291 = arith.constant 16 : i32
          %mul3A_292 = vector.broadcast %mul3A_291 : i32 to vector<16xi32>
          %mul3A_293 = arith.muli %and3A_290, %mul3A_292 : vector<16xi32>
          %add3A_294 = arith.addi %mul3A_293, %iota3A : vector<16xi32>
          %mul3A_295 = arith.constant 16 : i32
          %mul3A_296 = arith.muli %while3A_281, %mul3A_295 : i32
          %add3A_297 = vector.broadcast %mul3A_296 : i32 to vector<16xi32>
          %add3A_298 = arith.addi %add3A_297, %iota3A : vector<16xi32>
          %lt3A = vector.broadcast %scan3A_98 : i32 to vector<16xi32>
          %lt3A_299 = arith.cmpi slt, %add3A_298, %lt3A : vector<16xi32>
          tpu.vector_store_idx %arg6[%add3A_294], %broadcast_in_dim3A_1 masked %lt3A_299 {add = true} : memref<28672xi32, #tpu.memory_space<vmem>>[vector<16xi32>], vector<16xi32>, vector<16xi1>
          %while3A_300 = arith.constant 0 : i32
          scf.yield %while3A_300 : i32
        }
        %scan3A_138 = arith.constant 0 : i32
        %scan3A_139 = arith.constant 0 : i32
        %scan3A_140 = arith.constant 0 : i32
        %scan3A_141 = arith.constant 0 : i32
        %scan3A_142 = arith.constant 256 : i32
        %scan3A_143 = arith.addi %scan3A_141, %scan3A_142 : i32
        %scan3A_144 = arith.constant 1 : i32
        %scan3A_145:3 = scf.for %scan3A_281 = %scan3A_141 to %scan3A_143 step %scan3A_144 iter_args(%scan3A_282 = %scan3A_138, %scan3A_283 = %scan3A_139, %scan3A_284 = %scan3A_140) -> (i32, i32, i32)  : i32 {
          %sub3A_285 = arith.constant 255 : i32
          %sub3A_286 = arith.subi %sub3A_285, %scan3A_281 : i32
          %mul3A_287 = arith.constant 16 : i32
          %mul3A_288 = arith.muli %sub3A_286, %mul3A_287 : i32
          %get3A = arith.index_cast %mul3A_288 : i32 to index
          %get3A_289 = tpu.vector_load %arg6[%get3A] {strides = array<i32>} : memref<28672xi32, #tpu.memory_space<vmem>>, vector<16xi32>,
          %reduce_sum3A = arith.constant true
          %reduce_sum3A_290 = vector.broadcast %reduce_sum3A : i1 to vector<16xi1>
          %reduce_sum3A_291 = tpu.scan <sum>, %get3A_289 masked %reduce_sum3A_290 : vector<16xi32>, vector<16xi1> -> vector<16xi32>
          %reduce_sum3A_292 = vector.extract %reduce_sum3A_291[15] : i32 from vector<16xi32>
          %mul3A_293 = arith.constant 16 : i32
          %mul3A_294 = arith.muli %sub3A_286, %mul3A_293 : i32
          %swap3A = arith.index_cast %mul3A_294 : i32 to index
          %swap3A_295 = tpu.vector_load %arg6[%swap3A] {strides = array<i32>} : memref<28672xi32, #tpu.memory_space<vmem>>, vector<16xi32>,
          tpu.vector_store %arg6[%swap3A], %broadcast_in_dim3A_3 {strides = array<i32>} : memref<28672xi32, #tpu.memory_space<vmem>>, vector<16xi32>,
          %add3A_296 = arith.addi %scan3A_282, %reduce_sum3A_292 : i32
          %lt3A = arith.cmpi slt, %scan3A_282, %sub3A_100 : i32
          %ge3A = arith.cmpi sge, %add3A_296, %sub3A_100 : i32
          %and3A_297 = arith.andi %lt3A, %ge3A : i1
          %select_n3A_298 = arith.select %and3A_297, %sub3A_286, %scan3A_283 : i32
          %select_n3A_299 = arith.select %and3A_297, %scan3A_282, %scan3A_284 : i32
          scf.yield %add3A_296, %select_n3A_298, %select_n3A_299 : i32, i32, i32
        }
        %scan3A_146 = arith.constant 256 : i32
        %while3A_147 = arith.constant 0 : i32
        %while3A_148 = arith.constant 0 : i32
        %while3A_149 = arith.subi %select_n3A, %while3A_147 : i32
        %while3A_150 = arith.addi %while3A_147, %while3A_149 : i32
        %while3A_151 = arith.constant 1 : i32
        %while3A_152 = arith.divsi %while3A_149, %while3A_151 : i32
        %while3A_153 = arith.muli %while3A_152, %while3A_151 : i32
        %while3A_154 = arith.addi %while3A_147, %while3A_153 : i32
        %while3A_155 = arith.constant 1 : i32
        %while3A_156 = scf.for %while3A_281 = %while3A_147 to %while3A_154 step %while3A_155 iter_args(%while3A_282 = %while3A_148) -> (i32)  : i32 {
          %mul3A_283 = arith.constant 16 : i32
          %mul3A_284 = arith.muli %while3A_281, %mul3A_283 : i32
          %get3A = arith.index_cast %mul3A_284 : i32 to index
          %get3A_285 = tpu.vector_load %arg5[%get3A] {strides = array<i32>} : memref<50192xi32, #tpu.memory_space<vmem>>, vector<16xi32>,
          %shift_right_arithmetic3A = arith.constant 16 : i32
          %shift_right_arithmetic3A_286 = vector.broadcast %shift_right_arithmetic3A : i32 to vector<16xi32>
          %shift_right_arithmetic3A_287 = arith.shrsi %get3A_285, %shift_right_arithmetic3A_286 : vector<16xi32>
          %and3A_288 = arith.constant 255 : i32
          %and3A_289 = vector.broadcast %and3A_288 : i32 to vector<16xi32>
          %and3A_290 = arith.andi %shift_right_arithmetic3A_287, %and3A_289 : vector<16xi32>
          %eq3A_291 = vector.broadcast %scan3A_145#1 : i32 to vector<16xi32>
          %eq3A_292 = arith.cmpi eq, %and3A_290, %eq3A_291 : vector<16xi32>
          %mul3A_293 = arith.constant 16 : i32
          %mul3A_294 = arith.muli %while3A_281, %mul3A_293 : i32
          %add3A_295 = vector.broadcast %mul3A_294 : i32 to vector<16xi32>
          %add3A_296 = arith.addi %add3A_295, %iota3A : vector<16xi32>
          %lt3A = vector.broadcast %scan3A_98 : i32 to vector<16xi32>
          %lt3A_297 = arith.cmpi slt, %add3A_296, %lt3A : vector<16xi32>
          %and3A_298 = arith.andi %eq3A_292, %lt3A_297 : vector<16xi1>
          %swap3A = arith.index_cast %while3A_282 : i32 to index
          %swap3A_299 = tpu.vector_load %arg4[%swap3A] masked %and3A_298 {strides = array<i32>} : memref<50192xi32, #tpu.memory_space<vmem>>, vector<16xi32>, vector<16xi1>
          tpu.vector_store %arg4[%swap3A], %get3A_285 masked %and3A_298 {strides = array<i32>} : memref<50192xi32, #tpu.memory_space<vmem>>, vector<16xi32>, vector<16xi1>
          %convert_element_type3A_300 = arith.extui %and3A_298 : vector<16xi1> to vector<16xi32>
          %reduce_sum3A = arith.constant true
          %reduce_sum3A_301 = vector.broadcast %reduce_sum3A : i1 to vector<16xi1>
          %reduce_sum3A_302 = tpu.scan <sum>, %convert_element_type3A_300 masked %reduce_sum3A_301 : vector<16xi32>, vector<16xi1> -> vector<16xi32>
          %reduce_sum3A_303 = vector.extract %reduce_sum3A_302[15] : i32 from vector<16xi32>
          %add3A_304 = arith.addi %while3A_282, %reduce_sum3A_303 : i32
          scf.yield %add3A_304 : i32
        }
        %while3A_157 = arith.constant 1 : i32
        %while3A_158 = scf.for %while3A_281 = %while3A_154 to %while3A_150 step %while3A_157 iter_args(%while3A_282 = %while3A_156) -> (i32)  : i32 {
          %mul3A_283 = arith.constant 16 : i32
          %mul3A_284 = arith.muli %while3A_281, %mul3A_283 : i32
          %get3A = arith.index_cast %mul3A_284 : i32 to index
          %get3A_285 = tpu.vector_load %arg5[%get3A] {strides = array<i32>} : memref<50192xi32, #tpu.memory_space<vmem>>, vector<16xi32>,
          %shift_right_arithmetic3A = arith.constant 16 : i32
          %shift_right_arithmetic3A_286 = vector.broadcast %shift_right_arithmetic3A : i32 to vector<16xi32>
          %shift_right_arithmetic3A_287 = arith.shrsi %get3A_285, %shift_right_arithmetic3A_286 : vector<16xi32>
          %and3A_288 = arith.constant 255 : i32
          %and3A_289 = vector.broadcast %and3A_288 : i32 to vector<16xi32>
          %and3A_290 = arith.andi %shift_right_arithmetic3A_287, %and3A_289 : vector<16xi32>
          %eq3A_291 = vector.broadcast %scan3A_145#1 : i32 to vector<16xi32>
          %eq3A_292 = arith.cmpi eq, %and3A_290, %eq3A_291 : vector<16xi32>
          %mul3A_293 = arith.constant 16 : i32
          %mul3A_294 = arith.muli %while3A_281, %mul3A_293 : i32
          %add3A_295 = vector.broadcast %mul3A_294 : i32 to vector<16xi32>
          %add3A_296 = arith.addi %add3A_295, %iota3A : vector<16xi32>
          %lt3A = vector.broadcast %scan3A_98 : i32 to vector<16xi32>
          %lt3A_297 = arith.cmpi slt, %add3A_296, %lt3A : vector<16xi32>
          %and3A_298 = arith.andi %eq3A_292, %lt3A_297 : vector<16xi1>
          %swap3A = arith.index_cast %while3A_282 : i32 to index
          %swap3A_299 = tpu.vector_load %arg4[%swap3A] masked %and3A_298 {strides = array<i32>} : memref<50192xi32, #tpu.memory_space<vmem>>, vector<16xi32>, vector<16xi1>
          tpu.vector_store %arg4[%swap3A], %get3A_285 masked %and3A_298 {strides = array<i32>} : memref<50192xi32, #tpu.memory_space<vmem>>, vector<16xi32>, vector<16xi1>
          %convert_element_type3A_300 = arith.extui %and3A_298 : vector<16xi1> to vector<16xi32>
          %reduce_sum3A = arith.constant true
          %reduce_sum3A_301 = vector.broadcast %reduce_sum3A : i1 to vector<16xi1>
          %reduce_sum3A_302 = tpu.scan <sum>, %convert_element_type3A_300 masked %reduce_sum3A_301 : vector<16xi32>, vector<16xi1> -> vector<16xi32>
          %reduce_sum3A_303 = vector.extract %reduce_sum3A_302[15] : i32 from vector<16xi32>
          %add3A_304 = arith.addi %while3A_282, %reduce_sum3A_303 : i32
          scf.yield %add3A_304 : i32
        }
        %sub3A_159 = arith.subi %sub3A_100, %scan3A_145#2 : i32
        %add3A_160 = arith.constant 15 : i32
        %add3A_161 = arith.addi %while3A_158, %add3A_160 : i32
        %jit3A_162 = arith.constant 16 : i32
        %div3A_163 = arith.divsi %add3A_161, %jit3A_162 : i32
        %sign3A_164 = arith.constant 0 : i32
        %sign3A_165 = arith.cmpi sgt, %add3A_161, %sign3A_164 : i32
        %sign3A_166 = arith.extui %sign3A_165 : i1 to i32
        %sign3A_167 = arith.constant 0 : i32
        %sign3A_168 = arith.cmpi slt, %add3A_161, %sign3A_167 : i32
        %sign3A_169 = arith.extui %sign3A_168 : i1 to i32
        %sign3A_170 = arith.subi %sign3A_166, %sign3A_169 : i32
        %sign3A_171 = arith.constant 0 : i32
        %sign3A_172 = arith.cmpi sgt, %jit3A_162, %sign3A_171 : i32
        %sign3A_173 = arith.extui %sign3A_172 : i1 to i32
        %sign3A_174 = arith.constant 0 : i32
        %sign3A_175 = arith.cmpi slt, %jit3A_162, %sign3A_174 : i32
        %sign3A_176 = arith.extui %sign3A_175 : i1 to i32
        %sign3A_177 = arith.subi %sign3A_173, %sign3A_176 : i32
        %ne3A_178 = arith.cmpi ne, %sign3A_170, %sign3A_177 : i32
        %rem3A_179 = arith.remsi %add3A_161, %jit3A_162 : i32
        %ne3A_180 = arith.constant 0 : i32
        %ne3A_181 = arith.cmpi ne, %rem3A_179, %ne3A_180 : i32
        %and3A_182 = arith.andi %ne3A_178, %ne3A_181 : i1
        %sub3A_183 = arith.constant 1 : i32
        %sub3A_184 = arith.subi %div3A_163, %sub3A_183 : i32
        %select_n3A_185 = arith.select %and3A_182, %sub3A_184, %div3A_163 : i32
        %while3A_186 = arith.constant 0 : i32
        %while3A_187 = arith.constant 0 : i32
        %while3A_188 = arith.subi %select_n3A_185, %while3A_186 : i32
        %while3A_189 = arith.addi %while3A_186, %while3A_188 : i32
        %while3A_190 = arith.constant 1 : i32
        %while3A_191 = arith.divsi %while3A_188, %while3A_190 : i32
        %while3A_192 = arith.muli %while3A_191, %while3A_190 : i32
        %while3A_193 = arith.addi %while3A_186, %while3A_192 : i32
        %while3A_194 = arith.constant 1 : i32
        %while3A_195 = scf.for %while3A_281 = %while3A_186 to %while3A_193 step %while3A_194 iter_args(%while3A_282 = %while3A_187) -> (i32)  : i32 {
          %mul3A_283 = arith.constant 16 : i32
          %mul3A_284 = arith.muli %while3A_281, %mul3A_283 : i32
          %get3A = arith.index_cast %mul3A_284 : i32 to index
          %get3A_285 = tpu.vector_load %arg4[%get3A] {strides = array<i32>} : memref<50192xi32, #tpu.memory_space<vmem>>, vector<16xi32>,
          %shift_right_arithmetic3A = arith.constant 8 : i32
          %shift_right_arithmetic3A_286 = vector.broadcast %shift_right_arithmetic3A : i32 to vector<16xi32>
          %shift_right_arithmetic3A_287 = arith.shrsi %get3A_285, %shift_right_arithmetic3A_286 : vector<16xi32>
          %and3A_288 = arith.constant 255 : i32
          %and3A_289 = vector.broadcast %and3A_288 : i32 to vector<16xi32>
          %and3A_290 = arith.andi %shift_right_arithmetic3A_287, %and3A_289 : vector<16xi32>
          %mul3A_291 = arith.constant 16 : i32
          %mul3A_292 = vector.broadcast %mul3A_291 : i32 to vector<16xi32>
          %mul3A_293 = arith.muli %and3A_290, %mul3A_292 : vector<16xi32>
          %add3A_294 = arith.addi %mul3A_293, %iota3A : vector<16xi32>
          %mul3A_295 = arith.constant 16 : i32
          %mul3A_296 = arith.muli %while3A_281, %mul3A_295 : i32
          %add3A_297 = vector.broadcast %mul3A_296 : i32 to vector<16xi32>
          %add3A_298 = arith.addi %add3A_297, %iota3A : vector<16xi32>
          %lt3A = vector.broadcast %while3A_158 : i32 to vector<16xi32>
          %lt3A_299 = arith.cmpi slt, %add3A_298, %lt3A : vector<16xi32>
          tpu.vector_store_idx %arg6[%add3A_294], %broadcast_in_dim3A_1 masked %lt3A_299 {add = true} : memref<28672xi32, #tpu.memory_space<vmem>>[vector<16xi32>], vector<16xi32>, vector<16xi1>
          %while3A_300 = arith.constant 0 : i32
          scf.yield %while3A_300 : i32
        }
        %while3A_196 = arith.constant 1 : i32
        %while3A_197 = scf.for %while3A_281 = %while3A_193 to %while3A_189 step %while3A_196 iter_args(%while3A_282 = %while3A_195) -> (i32)  : i32 {
          %mul3A_283 = arith.constant 16 : i32
          %mul3A_284 = arith.muli %while3A_281, %mul3A_283 : i32
          %get3A = arith.index_cast %mul3A_284 : i32 to index
          %get3A_285 = tpu.vector_load %arg4[%get3A] {strides = array<i32>} : memref<50192xi32, #tpu.memory_space<vmem>>, vector<16xi32>,
          %shift_right_arithmetic3A = arith.constant 8 : i32
          %shift_right_arithmetic3A_286 = vector.broadcast %shift_right_arithmetic3A : i32 to vector<16xi32>
          %shift_right_arithmetic3A_287 = arith.shrsi %get3A_285, %shift_right_arithmetic3A_286 : vector<16xi32>
          %and3A_288 = arith.constant 255 : i32
          %and3A_289 = vector.broadcast %and3A_288 : i32 to vector<16xi32>
          %and3A_290 = arith.andi %shift_right_arithmetic3A_287, %and3A_289 : vector<16xi32>
          %mul3A_291 = arith.constant 16 : i32
          %mul3A_292 = vector.broadcast %mul3A_291 : i32 to vector<16xi32>
          %mul3A_293 = arith.muli %and3A_290, %mul3A_292 : vector<16xi32>
          %add3A_294 = arith.addi %mul3A_293, %iota3A : vector<16xi32>
          %mul3A_295 = arith.constant 16 : i32
          %mul3A_296 = arith.muli %while3A_281, %mul3A_295 : i32
          %add3A_297 = vector.broadcast %mul3A_296 : i32 to vector<16xi32>
          %add3A_298 = arith.addi %add3A_297, %iota3A : vector<16xi32>
          %lt3A = vector.broadcast %while3A_158 : i32 to vector<16xi32>
          %lt3A_299 = arith.cmpi slt, %add3A_298, %lt3A : vector<16xi32>
          tpu.vector_store_idx %arg6[%add3A_294], %broadcast_in_dim3A_1 masked %lt3A_299 {add = true} : memref<28672xi32, #tpu.memory_space<vmem>>[vector<16xi32>], vector<16xi32>, vector<16xi1>
          %while3A_300 = arith.constant 0 : i32
          scf.yield %while3A_300 : i32
        }
        %scan3A_198 = arith.constant 0 : i32
        %scan3A_199 = arith.constant 0 : i32
        %scan3A_200 = arith.constant 0 : i32
        %scan3A_201 = arith.constant 0 : i32
        %scan3A_202 = arith.constant 256 : i32
        %scan3A_203 = arith.addi %scan3A_201, %scan3A_202 : i32
        %scan3A_204 = arith.constant 1 : i32
        %scan3A_205:3 = scf.for %scan3A_281 = %scan3A_201 to %scan3A_203 step %scan3A_204 iter_args(%scan3A_282 = %scan3A_198, %scan3A_283 = %scan3A_199, %scan3A_284 = %scan3A_200) -> (i32, i32, i32)  : i32 {
          %sub3A_285 = arith.constant 255 : i32
          %sub3A_286 = arith.subi %sub3A_285, %scan3A_281 : i32
          %mul3A_287 = arith.constant 16 : i32
          %mul3A_288 = arith.muli %sub3A_286, %mul3A_287 : i32
          %get3A = arith.index_cast %mul3A_288 : i32 to index
          %get3A_289 = tpu.vector_load %arg6[%get3A] {strides = array<i32>} : memref<28672xi32, #tpu.memory_space<vmem>>, vector<16xi32>,
          %reduce_sum3A = arith.constant true
          %reduce_sum3A_290 = vector.broadcast %reduce_sum3A : i1 to vector<16xi1>
          %reduce_sum3A_291 = tpu.scan <sum>, %get3A_289 masked %reduce_sum3A_290 : vector<16xi32>, vector<16xi1> -> vector<16xi32>
          %reduce_sum3A_292 = vector.extract %reduce_sum3A_291[15] : i32 from vector<16xi32>
          %mul3A_293 = arith.constant 16 : i32
          %mul3A_294 = arith.muli %sub3A_286, %mul3A_293 : i32
          %swap3A = arith.index_cast %mul3A_294 : i32 to index
          %swap3A_295 = tpu.vector_load %arg6[%swap3A] {strides = array<i32>} : memref<28672xi32, #tpu.memory_space<vmem>>, vector<16xi32>,
          tpu.vector_store %arg6[%swap3A], %broadcast_in_dim3A_3 {strides = array<i32>} : memref<28672xi32, #tpu.memory_space<vmem>>, vector<16xi32>,
          %add3A_296 = arith.addi %scan3A_282, %reduce_sum3A_292 : i32
          %lt3A = arith.cmpi slt, %scan3A_282, %sub3A_159 : i32
          %ge3A = arith.cmpi sge, %add3A_296, %sub3A_159 : i32
          %and3A_297 = arith.andi %lt3A, %ge3A : i1
          %select_n3A_298 = arith.select %and3A_297, %sub3A_286, %scan3A_283 : i32
          %select_n3A_299 = arith.select %and3A_297, %scan3A_282, %scan3A_284 : i32
          scf.yield %add3A_296, %select_n3A_298, %select_n3A_299 : i32, i32, i32
        }
        %scan3A_206 = arith.constant 256 : i32
        %while3A_207 = arith.constant 0 : i32
        %while3A_208 = arith.constant 0 : i32
        %while3A_209 = arith.subi %select_n3A_185, %while3A_207 : i32
        %while3A_210 = arith.addi %while3A_207, %while3A_209 : i32
        %while3A_211 = arith.constant 1 : i32
        %while3A_212 = arith.divsi %while3A_209, %while3A_211 : i32
        %while3A_213 = arith.muli %while3A_212, %while3A_211 : i32
        %while3A_214 = arith.addi %while3A_207, %while3A_213 : i32
        %while3A_215 = arith.constant 1 : i32
        %while3A_216 = scf.for %while3A_281 = %while3A_207 to %while3A_214 step %while3A_215 iter_args(%while3A_282 = %while3A_208) -> (i32)  : i32 {
          %mul3A_283 = arith.constant 16 : i32
          %mul3A_284 = arith.muli %while3A_281, %mul3A_283 : i32
          %get3A = arith.index_cast %mul3A_284 : i32 to index
          %get3A_285 = tpu.vector_load %arg4[%get3A] {strides = array<i32>} : memref<50192xi32, #tpu.memory_space<vmem>>, vector<16xi32>,
          %shift_right_arithmetic3A = arith.constant 8 : i32
          %shift_right_arithmetic3A_286 = vector.broadcast %shift_right_arithmetic3A : i32 to vector<16xi32>
          %shift_right_arithmetic3A_287 = arith.shrsi %get3A_285, %shift_right_arithmetic3A_286 : vector<16xi32>
          %and3A_288 = arith.constant 255 : i32
          %and3A_289 = vector.broadcast %and3A_288 : i32 to vector<16xi32>
          %and3A_290 = arith.andi %shift_right_arithmetic3A_287, %and3A_289 : vector<16xi32>
          %eq3A_291 = vector.broadcast %scan3A_205#1 : i32 to vector<16xi32>
          %eq3A_292 = arith.cmpi eq, %and3A_290, %eq3A_291 : vector<16xi32>
          %mul3A_293 = arith.constant 16 : i32
          %mul3A_294 = arith.muli %while3A_281, %mul3A_293 : i32
          %add3A_295 = vector.broadcast %mul3A_294 : i32 to vector<16xi32>
          %add3A_296 = arith.addi %add3A_295, %iota3A : vector<16xi32>
          %lt3A = vector.broadcast %while3A_158 : i32 to vector<16xi32>
          %lt3A_297 = arith.cmpi slt, %add3A_296, %lt3A : vector<16xi32>
          %and3A_298 = arith.andi %eq3A_292, %lt3A_297 : vector<16xi1>
          %swap3A = arith.index_cast %while3A_282 : i32 to index
          %swap3A_299 = tpu.vector_load %arg5[%swap3A] masked %and3A_298 {strides = array<i32>} : memref<50192xi32, #tpu.memory_space<vmem>>, vector<16xi32>, vector<16xi1>
          tpu.vector_store %arg5[%swap3A], %get3A_285 masked %and3A_298 {strides = array<i32>} : memref<50192xi32, #tpu.memory_space<vmem>>, vector<16xi32>, vector<16xi1>
          %convert_element_type3A_300 = arith.extui %and3A_298 : vector<16xi1> to vector<16xi32>
          %reduce_sum3A = arith.constant true
          %reduce_sum3A_301 = vector.broadcast %reduce_sum3A : i1 to vector<16xi1>
          %reduce_sum3A_302 = tpu.scan <sum>, %convert_element_type3A_300 masked %reduce_sum3A_301 : vector<16xi32>, vector<16xi1> -> vector<16xi32>
          %reduce_sum3A_303 = vector.extract %reduce_sum3A_302[15] : i32 from vector<16xi32>
          %add3A_304 = arith.addi %while3A_282, %reduce_sum3A_303 : i32
          scf.yield %add3A_304 : i32
        }
        %while3A_217 = arith.constant 1 : i32
        %while3A_218 = scf.for %while3A_281 = %while3A_214 to %while3A_210 step %while3A_217 iter_args(%while3A_282 = %while3A_216) -> (i32)  : i32 {
          %mul3A_283 = arith.constant 16 : i32
          %mul3A_284 = arith.muli %while3A_281, %mul3A_283 : i32
          %get3A = arith.index_cast %mul3A_284 : i32 to index
          %get3A_285 = tpu.vector_load %arg4[%get3A] {strides = array<i32>} : memref<50192xi32, #tpu.memory_space<vmem>>, vector<16xi32>,
          %shift_right_arithmetic3A = arith.constant 8 : i32
          %shift_right_arithmetic3A_286 = vector.broadcast %shift_right_arithmetic3A : i32 to vector<16xi32>
          %shift_right_arithmetic3A_287 = arith.shrsi %get3A_285, %shift_right_arithmetic3A_286 : vector<16xi32>
          %and3A_288 = arith.constant 255 : i32
          %and3A_289 = vector.broadcast %and3A_288 : i32 to vector<16xi32>
          %and3A_290 = arith.andi %shift_right_arithmetic3A_287, %and3A_289 : vector<16xi32>
          %eq3A_291 = vector.broadcast %scan3A_205#1 : i32 to vector<16xi32>
          %eq3A_292 = arith.cmpi eq, %and3A_290, %eq3A_291 : vector<16xi32>
          %mul3A_293 = arith.constant 16 : i32
          %mul3A_294 = arith.muli %while3A_281, %mul3A_293 : i32
          %add3A_295 = vector.broadcast %mul3A_294 : i32 to vector<16xi32>
          %add3A_296 = arith.addi %add3A_295, %iota3A : vector<16xi32>
          %lt3A = vector.broadcast %while3A_158 : i32 to vector<16xi32>
          %lt3A_297 = arith.cmpi slt, %add3A_296, %lt3A : vector<16xi32>
          %and3A_298 = arith.andi %eq3A_292, %lt3A_297 : vector<16xi1>
          %swap3A = arith.index_cast %while3A_282 : i32 to index
          %swap3A_299 = tpu.vector_load %arg5[%swap3A] masked %and3A_298 {strides = array<i32>} : memref<50192xi32, #tpu.memory_space<vmem>>, vector<16xi32>, vector<16xi1>
          tpu.vector_store %arg5[%swap3A], %get3A_285 masked %and3A_298 {strides = array<i32>} : memref<50192xi32, #tpu.memory_space<vmem>>, vector<16xi32>, vector<16xi1>
          %convert_element_type3A_300 = arith.extui %and3A_298 : vector<16xi1> to vector<16xi32>
          %reduce_sum3A = arith.constant true
          %reduce_sum3A_301 = vector.broadcast %reduce_sum3A : i1 to vector<16xi1>
          %reduce_sum3A_302 = tpu.scan <sum>, %convert_element_type3A_300 masked %reduce_sum3A_301 : vector<16xi32>, vector<16xi1> -> vector<16xi32>
          %reduce_sum3A_303 = vector.extract %reduce_sum3A_302[15] : i32 from vector<16xi32>
          %add3A_304 = arith.addi %while3A_282, %reduce_sum3A_303 : i32
          scf.yield %add3A_304 : i32
        }
        %sub3A_219 = arith.subi %sub3A_159, %scan3A_205#2 : i32
        %add3A_220 = arith.constant 15 : i32
        %add3A_221 = arith.addi %while3A_218, %add3A_220 : i32
        %jit3A_222 = arith.constant 16 : i32
        %div3A_223 = arith.divsi %add3A_221, %jit3A_222 : i32
        %sign3A_224 = arith.constant 0 : i32
        %sign3A_225 = arith.cmpi sgt, %add3A_221, %sign3A_224 : i32
        %sign3A_226 = arith.extui %sign3A_225 : i1 to i32
        %sign3A_227 = arith.constant 0 : i32
        %sign3A_228 = arith.cmpi slt, %add3A_221, %sign3A_227 : i32
        %sign3A_229 = arith.extui %sign3A_228 : i1 to i32
        %sign3A_230 = arith.subi %sign3A_226, %sign3A_229 : i32
        %sign3A_231 = arith.constant 0 : i32
        %sign3A_232 = arith.cmpi sgt, %jit3A_222, %sign3A_231 : i32
        %sign3A_233 = arith.extui %sign3A_232 : i1 to i32
        %sign3A_234 = arith.constant 0 : i32
        %sign3A_235 = arith.cmpi slt, %jit3A_222, %sign3A_234 : i32
        %sign3A_236 = arith.extui %sign3A_235 : i1 to i32
        %sign3A_237 = arith.subi %sign3A_233, %sign3A_236 : i32
        %ne3A_238 = arith.cmpi ne, %sign3A_230, %sign3A_237 : i32
        %rem3A_239 = arith.remsi %add3A_221, %jit3A_222 : i32
        %ne3A_240 = arith.constant 0 : i32
        %ne3A_241 = arith.cmpi ne, %rem3A_239, %ne3A_240 : i32
        %and3A_242 = arith.andi %ne3A_238, %ne3A_241 : i1
        %sub3A_243 = arith.constant 1 : i32
        %sub3A_244 = arith.subi %div3A_223, %sub3A_243 : i32
        %select_n3A_245 = arith.select %and3A_242, %sub3A_244, %div3A_223 : i32
        %while3A_246 = arith.constant 0 : i32
        %while3A_247 = arith.constant 0 : i32
        %while3A_248 = arith.subi %select_n3A_245, %while3A_246 : i32
        %while3A_249 = arith.addi %while3A_246, %while3A_248 : i32
        %while3A_250 = arith.constant 1 : i32
        %while3A_251 = arith.divsi %while3A_248, %while3A_250 : i32
        %while3A_252 = arith.muli %while3A_251, %while3A_250 : i32
        %while3A_253 = arith.addi %while3A_246, %while3A_252 : i32
        %while3A_254 = arith.constant 1 : i32
        %while3A_255 = scf.for %while3A_281 = %while3A_246 to %while3A_253 step %while3A_254 iter_args(%while3A_282 = %while3A_247) -> (i32)  : i32 {
          %mul3A_283 = arith.constant 16 : i32
          %mul3A_284 = arith.muli %while3A_281, %mul3A_283 : i32
          %get3A = arith.index_cast %mul3A_284 : i32 to index
          %get3A_285 = tpu.vector_load %arg5[%get3A] {strides = array<i32>} : memref<50192xi32, #tpu.memory_space<vmem>>, vector<16xi32>,
          %shift_right_arithmetic3A = arith.constant 0 : i32
          %shift_right_arithmetic3A_286 = vector.broadcast %shift_right_arithmetic3A : i32 to vector<16xi32>
          %shift_right_arithmetic3A_287 = arith.shrsi %get3A_285, %shift_right_arithmetic3A_286 : vector<16xi32>
          %and3A_288 = arith.constant 255 : i32
          %and3A_289 = vector.broadcast %and3A_288 : i32 to vector<16xi32>
          %and3A_290 = arith.andi %shift_right_arithmetic3A_287, %and3A_289 : vector<16xi32>
          %mul3A_291 = arith.constant 16 : i32
          %mul3A_292 = vector.broadcast %mul3A_291 : i32 to vector<16xi32>
          %mul3A_293 = arith.muli %and3A_290, %mul3A_292 : vector<16xi32>
          %add3A_294 = arith.addi %mul3A_293, %iota3A : vector<16xi32>
          %mul3A_295 = arith.constant 16 : i32
          %mul3A_296 = arith.muli %while3A_281, %mul3A_295 : i32
          %add3A_297 = vector.broadcast %mul3A_296 : i32 to vector<16xi32>
          %add3A_298 = arith.addi %add3A_297, %iota3A : vector<16xi32>
          %lt3A = vector.broadcast %while3A_218 : i32 to vector<16xi32>
          %lt3A_299 = arith.cmpi slt, %add3A_298, %lt3A : vector<16xi32>
          tpu.vector_store_idx %arg6[%add3A_294], %broadcast_in_dim3A_1 masked %lt3A_299 {add = true} : memref<28672xi32, #tpu.memory_space<vmem>>[vector<16xi32>], vector<16xi32>, vector<16xi1>
          %while3A_300 = arith.constant 0 : i32
          scf.yield %while3A_300 : i32
        }
        %while3A_256 = arith.constant 1 : i32
        %while3A_257 = scf.for %while3A_281 = %while3A_253 to %while3A_249 step %while3A_256 iter_args(%while3A_282 = %while3A_255) -> (i32)  : i32 {
          %mul3A_283 = arith.constant 16 : i32
          %mul3A_284 = arith.muli %while3A_281, %mul3A_283 : i32
          %get3A = arith.index_cast %mul3A_284 : i32 to index
          %get3A_285 = tpu.vector_load %arg5[%get3A] {strides = array<i32>} : memref<50192xi32, #tpu.memory_space<vmem>>, vector<16xi32>,
          %shift_right_arithmetic3A = arith.constant 0 : i32
          %shift_right_arithmetic3A_286 = vector.broadcast %shift_right_arithmetic3A : i32 to vector<16xi32>
          %shift_right_arithmetic3A_287 = arith.shrsi %get3A_285, %shift_right_arithmetic3A_286 : vector<16xi32>
          %and3A_288 = arith.constant 255 : i32
          %and3A_289 = vector.broadcast %and3A_288 : i32 to vector<16xi32>
          %and3A_290 = arith.andi %shift_right_arithmetic3A_287, %and3A_289 : vector<16xi32>
          %mul3A_291 = arith.constant 16 : i32
          %mul3A_292 = vector.broadcast %mul3A_291 : i32 to vector<16xi32>
          %mul3A_293 = arith.muli %and3A_290, %mul3A_292 : vector<16xi32>
          %add3A_294 = arith.addi %mul3A_293, %iota3A : vector<16xi32>
          %mul3A_295 = arith.constant 16 : i32
          %mul3A_296 = arith.muli %while3A_281, %mul3A_295 : i32
          %add3A_297 = vector.broadcast %mul3A_296 : i32 to vector<16xi32>
          %add3A_298 = arith.addi %add3A_297, %iota3A : vector<16xi32>
          %lt3A = vector.broadcast %while3A_218 : i32 to vector<16xi32>
          %lt3A_299 = arith.cmpi slt, %add3A_298, %lt3A : vector<16xi32>
          tpu.vector_store_idx %arg6[%add3A_294], %broadcast_in_dim3A_1 masked %lt3A_299 {add = true} : memref<28672xi32, #tpu.memory_space<vmem>>[vector<16xi32>], vector<16xi32>, vector<16xi1>
          %while3A_300 = arith.constant 0 : i32
          scf.yield %while3A_300 : i32
        }
        %scan3A_258 = arith.constant 0 : i32
        %scan3A_259 = arith.constant 0 : i32
        %scan3A_260 = arith.constant 0 : i32
        %scan3A_261 = arith.constant 0 : i32
        %scan3A_262 = arith.constant 256 : i32
        %scan3A_263 = arith.addi %scan3A_261, %scan3A_262 : i32
        %scan3A_264 = arith.constant 1 : i32
        %scan3A_265:3 = scf.for %scan3A_281 = %scan3A_261 to %scan3A_263 step %scan3A_264 iter_args(%scan3A_282 = %scan3A_258, %scan3A_283 = %scan3A_259, %scan3A_284 = %scan3A_260) -> (i32, i32, i32)  : i32 {
          %sub3A_285 = arith.constant 255 : i32
          %sub3A_286 = arith.subi %sub3A_285, %scan3A_281 : i32
          %mul3A_287 = arith.constant 16 : i32
          %mul3A_288 = arith.muli %sub3A_286, %mul3A_287 : i32
          %get3A = arith.index_cast %mul3A_288 : i32 to index
          %get3A_289 = tpu.vector_load %arg6[%get3A] {strides = array<i32>} : memref<28672xi32, #tpu.memory_space<vmem>>, vector<16xi32>,
          %reduce_sum3A = arith.constant true
          %reduce_sum3A_290 = vector.broadcast %reduce_sum3A : i1 to vector<16xi1>
          %reduce_sum3A_291 = tpu.scan <sum>, %get3A_289 masked %reduce_sum3A_290 : vector<16xi32>, vector<16xi1> -> vector<16xi32>
          %reduce_sum3A_292 = vector.extract %reduce_sum3A_291[15] : i32 from vector<16xi32>
          %mul3A_293 = arith.constant 16 : i32
          %mul3A_294 = arith.muli %sub3A_286, %mul3A_293 : i32
          %swap3A = arith.index_cast %mul3A_294 : i32 to index
          %swap3A_295 = tpu.vector_load %arg6[%swap3A] {strides = array<i32>} : memref<28672xi32, #tpu.memory_space<vmem>>, vector<16xi32>,
          tpu.vector_store %arg6[%swap3A], %broadcast_in_dim3A_3 {strides = array<i32>} : memref<28672xi32, #tpu.memory_space<vmem>>, vector<16xi32>,
          %add3A_296 = arith.addi %scan3A_282, %reduce_sum3A_292 : i32
          %lt3A = arith.cmpi slt, %scan3A_282, %sub3A_219 : i32
          %ge3A = arith.cmpi sge, %add3A_296, %sub3A_219 : i32
          %and3A_297 = arith.andi %lt3A, %ge3A : i1
          %select_n3A_298 = arith.select %and3A_297, %sub3A_286, %scan3A_283 : i32
          %select_n3A_299 = arith.select %and3A_297, %scan3A_282, %scan3A_284 : i32
          scf.yield %add3A_296, %select_n3A_298, %select_n3A_299 : i32, i32, i32
        }
        %scan3A_266 = arith.constant 256 : i32
        %sub3A_267 = arith.subi %sub3A_219, %scan3A_265#2 : i32
        %sub3A_268 = arith.constant 128 : i32
        %sub3A_269 = arith.subi %scan3A_91#1, %sub3A_268 : i32
        %shift_left3A = arith.constant 24 : i32
        %shift_left3A_270 = arith.shli %sub3A_269, %shift_left3A : i32
        %shift_left3A_271 = arith.constant 16 : i32
        %shift_left3A_272 = arith.shli %scan3A_145#1, %shift_left3A_271 : i32
        %or3A = arith.ori %shift_left3A_270, %shift_left3A_272 : i32
        %shift_left3A_273 = arith.constant 8 : i32
        %shift_left3A_274 = arith.shli %scan3A_205#1, %shift_left3A_273 : i32
        %or3A_275 = arith.ori %or3A, %shift_left3A_274 : i32
        %or3A_276 = arith.ori %or3A_275, %scan3A_265#1 : i32
        %broadcast_in_dim3A_277 = vector.broadcast %scan3A_19 : i32 to vector<16xi32>
        %broadcast_in_dim3A_278 = vector.broadcast %or3A_276 : i32 to vector<16xi32>
        %eq3A = arith.constant 0 : i32
        %eq3A_279 = vector.broadcast %eq3A : i32 to vector<16xi32>
        %eq3A_280 = arith.cmpi eq, %iota3A, %eq3A_279 : vector<16xi32>
        tpu.vector_store_idx %arg7[%broadcast_in_dim3A_277], %broadcast_in_dim3A_278 masked %eq3A_280 : memref<48xi32, #tpu.memory_space<vmem>>[vector<16xi32>], vector<16xi32>, vector<16xi1>
      } else {
      }
      %scan3A_107 = arith.constant 0 : i32
      scf.yield %scan3A_107 : i32
    }
    %scan3A_16 = arith.constant 48 : i32
    %mul3A_17 = arith.constant 48 : i32
    %mul3A_18 = arith.muli %add3A, %mul3A_17 : i32
    "tpu.region"() ({
      %run_scoped3A = tpu.sem_alloc : memref<!tpu.dma_semaphore, #tpu.memory_space<semaphore_mem>>
      %dma_start3A = tpu.memref_slice %arg3[%mul3A_18] : memref<1536xi32, #tpu.memory_space<hbm>> -> memref<48xi32, #tpu.memory_space<hbm>>
      %dma_start3A_19 = tpu.memref_slice %arg3[%mul3A_18] : memref<1536xi32, #tpu.memory_space<hbm>> -> memref<48xi32, #tpu.memory_space<hbm>>
      tpu.enqueue_dma source(%arg7 : memref<48xi32, #tpu.memory_space<vmem>>) target(%dma_start3A_19 : memref<48xi32, #tpu.memory_space<hbm>>) target_semaphore(%run_scoped3A : memref<!tpu.dma_semaphore, #tpu.memory_space<semaphore_mem>>)
      %dma_wait3A = tpu.memref_slice %arg3[%mul3A_18] : memref<1536xi32, #tpu.memory_space<hbm>> -> memref<48xi32, #tpu.memory_space<hbm>>
      %dma_wait3A_20 = tpu.memref_slice %arg3[%mul3A_18] : memref<1536xi32, #tpu.memory_space<hbm>> -> memref<48xi32, #tpu.memory_space<hbm>>
      tpu.wait_dma2 semaphore(%run_scoped3A : memref<!tpu.dma_semaphore, #tpu.memory_space<semaphore_mem>>) src(%arg7 : memref<48xi32, #tpu.memory_space<vmem>>) dst(%dma_wait3A_20 : memref<48xi32, #tpu.memory_space<hbm>>)
      tpu.yield
    }) : () -> ()
    return
  }
}

module attributes {stable_mosaic.version = 14 : i64} {
  func.func @_dense_body(%arg0: memref<16x96xi32, #tpu.memory_space<vmem>>, %arg1: memref<96x1000xf32, #tpu.memory_space<vmem>>, %arg2: memref<1x1000xf32, #tpu.memory_space<vmem>>, %arg3: memref<16x1000xf32, #tpu.memory_space<vmem>>) attributes {dimension_semantics = [], scalar_prefetch = 0 : i64, scratch_operands = 0 : i64, tpu.core_type = #tpu.core_type<tc>} {
    %get3A = arith.constant 0 : index
    %get3A_0 = arith.constant 0 : index
    %get3A_1 = vector.load %arg0[%get3A, %get3A_0] : memref<16x96xi32, #tpu.memory_space<vmem>>, vector<16x96xi32>
    %broadcast_in_dim3A = arith.constant 2147483647 : i32
    %broadcast_in_dim3A_2 = vector.broadcast %broadcast_in_dim3A : i32 to vector<16x96xi32>
    %ge3A = arith.constant 0 : i32
    %ge3A_3 = vector.broadcast %ge3A : i32 to vector<16x96xi32>
    %ge3A_4 = arith.cmpi sge, %get3A_1, %ge3A_3 : vector<16x96xi32>
    %xor3A = arith.xori %get3A_1, %broadcast_in_dim3A_2 : vector<16x96xi32>
    %select_n3A = arith.select %ge3A_4, %get3A_1, %xor3A : vector<16x96xi1>, vector<16x96xi32>
    %bitcast_convert_type3A = tpu.bitcast %select_n3A : vector<16x96xi32> -> vector<16x96xf32>
    %get3A_5 = arith.constant 0 : index
    %get3A_6 = arith.constant 0 : index
    %get3A_7 = vector.load %arg1[%get3A_5, %get3A_6] : memref<96x1000xf32, #tpu.memory_space<vmem>>, vector<96x1000xf32>
    %dot_general3A = arith.constant dense<0.000000e+00> : vector<16x1000xf32>
    %dot_general3A_8 = tpu.matmul %bitcast_convert_type3A, %get3A_7, %dot_general3A {dimension_numbers = #tpu.dot_dimension_numbers<[1], [0], [0], [1], [0, 0, 1, 1], [], []>, transpose_lhs_hint = false} : vector<16x96xf32>, vector<96x1000xf32>, vector<16x1000xf32> -> vector<16x1000xf32>
    %get3A_9 = arith.constant 0 : index
    %get3A_10 = arith.constant 0 : index
    %get3A_11 = vector.load %arg2[%get3A_9, %get3A_10] : memref<1x1000xf32, #tpu.memory_space<vmem>>, vector<1x1000xf32>
    %add3A = vector.broadcast %get3A_11 : vector<1x1000xf32> to vector<16x1000xf32>
    %add3A_12 = arith.addf %dot_general3A_8, %add3A : vector<16x1000xf32>
    %swap3A = arith.constant 0 : index
    %swap3A_13 = arith.constant 0 : index
    %swap3A_14 = vector.load %arg3[%swap3A, %swap3A_13] : memref<16x1000xf32, #tpu.memory_space<vmem>>, vector<16x1000xf32>
    tpu.vector_store %arg3[%swap3A, %swap3A_13], %add3A_12 {strides = array<i32>} : memref<16x1000xf32, #tpu.memory_space<vmem>>, vector<16x1000xf32>,
    return
  }
}

</mosaic_0001>

<sc_bundles>
// kernel: kernel.4.cloned.1.call-start
scs
__scs_entry_jumppad:
0x0: {  	(pc) =	sbr.rel $0x88, $3  }
0x1: {  	(tag) =	ssettag $0x0;
	lr =	simm.s32 $0x1  }
0x2: {  	[smem:$0x3F9E] =	sst lr;
	_ =	strace $0xD0000000  }
0x3: {  	_ = 	snop  }
0x4: {  	_ = 	snop  }
0x5: {  	_ = 	snop  }
0x6: {  	_ = 	snop  }
0x7: {  	_ = 	snop  }
__scs_overlays_trampoline_lowered:
0x8: {  	[smem:$0x3FAD] =	sst s0  }
0x9: {  	[smem:$0x3FAE] =	sst s1  }
0xa: {  	[smem:$0x3FAF] =	sst s2  }
0xb: {  	[smem:$0x3FB0] =	sst s3  }
0xc: {  	[smem:$0x3FB1] =	sst s4  }
0xd: {  	[smem:$0x3FB2] =	sst s5  }
0xe: {  	[smem:$0x3FB3] =	sst s6  }
0xf: {  	[smem:$0x3FB4] =	sst s7  }
0x10: {  	[smem:$0x3FB5] =	sst s8  }
0x11: {  	[smem:$0x3FB6] =	sst s9;
	s0 =	simm.s32 @!p0 $0x0  }
0x12: {  	s1 =	sld [smem:$0x3F9C];
	s0 =	simm.s32 @p0 $0x1  }
0x13: {  	[smem:$0x3FB7] =	sst s0;
	s0 =	simm.s32 @!p1 $0x0  }
0x14: {  	s2 =	sld [smem:$0x3F9B];
	s0 =	simm.s32 @p1 $0x1  }
0x15: {  	[smem:$0x3FB8] =	sst s0;
	s0 =	simm.s32 @!p2 $0x0  }
0x16: {  	s3 =	sld [smem:$0x3FDB];
	s0 =	simm.s32 @p2 $0x1  }
0x17: {  	s4 =	simm.s32 $0x1BF5;
	[smem:$0x3FBA] =	sst s0  }
0x18: {  	s0 =	sld [smem:$0x3F9D];
	_ =	swait.ge [sflag:s4], $0x0  }
0x19: {  	s7 =	sld [smem:$0x3F9E]  }
0x1a: {  	s8 =	sadd.s32 $0xFFFFE003, lr  }
0x1b: {  	s9 =	sadd.s32 $0xFFFFFEF7, lr;
	s5 =	simm.s32 $0xFFFFFFFF;
	p2 =	slt.u32 s8, $0xFFFFF086  }
0x1c: {  	p1 =	slt.u32 s9, $0xF7A;
	s5 =	simm.s32 @!p2 $0x0  }
0x1d: {  	s5 =	simm.s32 @p1 $0x1;
	p0 =	seq.s32 s7, s2  }
0x1e: {  	s7 =	smul.u32 @!p0 $0xF7A, s2;
	p2 =	seq.s32 @!p0 s5, $0x0  }
0x1f: {  	s9 =	smul.u32 $0xF7A, s1;
	s8 =	simm.s32 @!p0 $0x1BF5;
	p2 =	por !p2, p0  }
0x20: {  	[sflag:s8] =	ssyncset.s32 @!p0 $0xFFFFF086;
	s6 =	sadd.s32 @!p0 s3, s7;
	s7 =	simm.s32 @!p0 $0x108  }
0x21: {  	s3 =	sadd.s32 s3, s9;
	s6 =	sadd.s32 @!p0 $0x88, s6;
	s7 =	simm.s32 @p2 $0x1082  }
0x22: {  	[simem:s7], [sflag:s8] =	dma.local @!p0 [hbm:s6], $0xF7A  }
0x23: {  	s9 =	sor.u32 $0xD0000000, s2;
	s6 =	simm.s32 $0x108;
	_ =	swait.ge @!p0 [sflag:s8], $0x0  }
0x24: {  	s3 =	sadd.s32 $0x88, s3;
	s6 =	simm.s32 @!p1 $0x1082;
	[sflag:s4] =	ssyncset.s32 $0xFFFFF086  }
0x25: {  	[simem:s6], [sflag:s4] =	dma.local [hbm:s3], $0xF7A  }
0x26: {  	[smem:$0x3F9E] =	sst s1;
	(tag) =	ssettag s2;
	_ =	strace s9  }
0x27: {  	s1 =	sld [smem:$0x3FAE]  }
0x28: {  	s2 =	sld [smem:$0x3FAF]  }
0x29: {  	s4 =	sld [smem:$0x3FB1]  }
0x2a: {  	p0 =	seq.s32 s5, $0x0;
	s5 =	sld [smem:$0x3FB2]  }
0x2b: {  	s6 =	sld [smem:$0x3FB3]  }
0x2c: {  	s7 =	sld [smem:$0x3FB4]  }
0x2d: {  	s3 =	simm.s32 $0x108;
	s8 =	sld [smem:$0x3FB5]  }
0x2e: {  	s3 =	simm.s32 @!p0 $0x1082;
	s9 =	sld [smem:$0x3FB6]  }
0x2f: {  	lr =	sadd.s32 s0, s3;
	s0 =	sld [smem:$0x3FAD]  }
0x30: {  	s3 =	sld [smem:$0x3FB0]  }
0x31: {  	[smem:$0x3FB9] =	sst s10  }
0x32: {  	s10 =	sld [smem:$0x3FB7];
	_ =	sdelay $0x3  }
0x33: {  	p0 =	seq.s32 s10, $0x1;
	s10 =	sld [smem:$0x3FB9];
	_ =	sdelay $0x3  }
0x34: {  	[smem:$0x3FB9] =	sst s10  }
0x35: {  	s10 =	sld [smem:$0x3FB8];
	_ =	sdelay $0x3  }
0x36: {  	p1 =	seq.s32 s10, $0x1;
	s10 =	sld [smem:$0x3FB9];
	_ =	sdelay $0x3  }
0x37: {  	[smem:$0x3FB9] =	sst s10  }
0x38: {  	s10 =	sld [smem:$0x3FBA]  }
0x39: {  	_ = 	snop;
	(pc) =	sbr.ind lr, $3  }
0x3a: {  	_ = 	snop  }
0x3b: {  	_ = 	snop  }
0x3c: {  	p2 =	seq.s32 s10, $0x1;
	s10 =	sld [smem:$0x3FB9]  }
0x3d: {  	_ =	shalt  }
0x3e: {  	_ =	shalt  }
0x3f: {  	_ =	shalt  }
0x40: {  	_ =	shalt  }
0x41: {  	_ =	shalt  }
0x42: {  	_ =	shalt  }
0x43: {  	_ =	shalt  }
0x44: {  	_ =	shalt  }
0x45: {  	_ =	shalt  }
0x46: {  	_ =	shalt  }
0x47: {  	_ =	shalt  }
0x48: {  	_ =	shalt  }
0x49: {  	_ =	shalt  }
0x4a: {  	_ =	shalt  }
0x4b: {  	_ =	shalt  }
0x4c: {  	_ =	shalt  }
0x4d: {  	_ =	shalt  }
0x4e: {  	_ =	shalt  }
0x4f: {  	_ =	shalt  }
0x50: {  	_ =	shalt  }
0x51: {  	_ =	shalt  }
0x52: {  	_ =	shalt  }
0x53: {  	_ =	shalt  }
0x54: {  	_ =	shalt  }
0x55: {  	_ =	shalt  }
0x56: {  	_ =	shalt  }
0x57: {  	_ =	shalt  }
0x58: {  	_ =	shalt  }
0x59: {  	_ =	shalt  }
0x5a: {  	_ =	shalt  }
0x5b: {  	_ =	shalt  }
0x5c: {  	_ =	shalt  }
0x5d: {  	_ =	shalt  }
0x5e: {  	_ =	shalt  }
0x5f: {  	_ =	shalt  }
0x60: {  	_ =	shalt  }
0x61: {  	_ =	shalt  }
0x62: {  	_ =	shalt  }
0x63: {  	_ =	shalt  }
0x64: {  	_ =	shalt  }
0x65: {  	_ =	shalt  }
0x66: {  	_ =	shalt  }
0x67: {  	_ =	shalt  }
0x68: {  	_ =	shalt  }
0x69: {  	_ =	shalt  }
0x6a: {  	_ =	shalt  }
0x6b: {  	_ =	shalt  }
0x6c: {  	_ =	shalt  }
0x6d: {  	_ =	shalt  }
0x6e: {  	_ =	shalt  }
0x6f: {  	_ =	shalt  }
0x70: {  	_ =	shalt  }
0x71: {  	_ =	shalt  }
0x72: {  	_ =	shalt  }
0x73: {  	_ =	shalt  }
0x74: {  	_ =	shalt  }
0x75: {  	_ =	shalt  }
0x76: {  	_ =	shalt  }
0x77: {  	_ =	shalt  }
0x78: {  	_ =	shalt  }
0x79: {  	_ =	shalt  }
0x7a: {  	_ =	shalt  }
0x7b: {  	_ =	shalt  }
0x7c: {  	_ =	shalt  }
0x7d: {  	_ =	shalt  }
0x7e: {  	_ =	shalt  }
0x7f: {  	_ =	shalt  }
0x80: {  	_ =	shalt  }
0x81: {  	_ =	shalt  }
0x82: {  	_ =	shalt  }
0x83: {  	_ =	shalt  }
0x84: {  	_ =	shalt  }
0x85: {  	_ =	shalt  }
0x86: {  	_ =	shalt  }
0x87: {  	_ =	shalt  }
.Lfunc_end0:
.L_simem_size_0:
called_computation_lowered:
.L_overlay_start_0:
0x88: {  	s2 =	sld [smem:$0x3FD9]  }
0x89: {  	s3 =	sld [smem:$0x3FFE];
	_ =	sdelay $0x1  }
0x8a: {  	s1 =	srdreg.scid  }
0x8b: {  	s0 =	sand.u32 $0x1, s1  }
0x8c: {  	s17 =	sshll.u32 s0, $0xA;
	s2 =	sadd.s32 s3, s2  }
0x8d: {  	s2 =	sadd.s32 s2, s17  }
0x8e: {  	[smem:$0x3FC5] =	sst s2  }
0x8f: {  	_ = 	snop  }
0x90: {  	s2 =	sld [smem:$0x3FD0];
	(tm) =	ssettm $0x1  }
0x91: {  	s18 =	sld [smem:$0x3FFB];
	_ =	sdelay $0x3  }
0x92: {  	_ =	strace s18  }
0x93: {  	s3 =	sld [smem:$0x3FFC];
	_ =	sdelay $0x3  }
0x94: {  	_ =	strace s3  }
0x95: {  	s3 =	sld [smem:$0x3FFD];
	_ =	sdelay $0x3  }
0x96: {  	_ =	strace s3  }
0x97: {  	_ =	strace $0x8FFFFFFF  }
0x98: {  	s19 =	sld [smem:$0x3FDB];
	_ =	sdelay $0x1  }
0x99: {  	s4 =	simm.s32 $_scs_section_size  }
0x9a: {  	s5 =	simm.s32 $_size__tile_overlayer_lowered;
	s6 =	simm.s32 $_tile_overlayer_lowered  }
0x9b: {  	s22 =	simm.s32 $0x1BFF;
	s21 =	sshll.u32 s6, $0x1;
	s3 =	sadd.s32 s4, s19  }
0x9c: {  	s7 =	simm.s32 $0x0;
	s20 =	sshll.u32 s5, $0x1;
	s5 =	sadd.s32 s21, s3  }
0x9d: {  	[timem:s7], [sflag:s22] =	dma.local [hbm:s5], s20  }
0x9e: {  	_ =	swait.ge [sflag:s22], s20  }
0x9f: {  	s4 =	ssub.s32 $0x0, s20;
	[sflag:s22] =	ssyncset.done $0x0  }
0xa0: {  	[sflag:s22] =	ssyncadd.s32 s4;
	_ =	sdelay $0x1  }
0xa1: {  	s23 =	simm.s32 $0x1B8B  }
0xa2: {  	_ =	swait.ge [sflag:s23], $0x1  }
0xa3: {  	[sflag:s23] =	ssyncset.done $0x0  }
0xa4: {  	s25 =	simm.s32 $0x1B8E;
	s24 =	sld [smem:$0x3FFE];
	[sflag:s23] =	ssyncadd.s32 $0xFFFFFFFF  }
0xa5: {  	s26 =	simm.s32 $execute0_lowered;
	[smem:$0x3FD2] =	sst s25  }
0xa6: {  	s5 =	sshll.u32 s26, $0x1;
	_ =	strace $0x80000046;
	[dreg:$0x1] =	wrdreg $0xFFFFFFFF  }
0xa7: {  	s28 =	simm.s32 $_size_execute0_lowered;
	s3 =	sadd.s32 s3, s5;
	[dreg:$0x0] =	wrdreg $0x0  }
0xa8: {  	s5 =	sshll.u32 s28, $0x1;
	[dreg:$0x2] =	wrdreg s3  }
0xa9: {  	[dreg:$0x3] =	wrdreg s5  }
0xaa: {  	[dreg:$0x4] =	wrdreg $0xC0  }
0xab: {  	_ =	task [dreg:s7], $0x5FFFF  }
0xac: {  	[dreg:$0x1] =	wrdreg $0xFFFFFFFF  }
0xad: {  	[dreg:$0x0] =	wrdreg $0x60  }
0xae: {  	[dreg:$0x2] =	wrdreg s24  }
0xaf: {  	[dreg:$0x3] =	wrdreg s2  }
0xb0: {  	[dreg:$0x4] =	wrdreg $0x9  }
0xb1: {  	_ =	task.clear_ibuf [dreg:s7], $0x5FFFF;
	_ =	strace $0x90000046  }
0xb2: {  	s29 =	simm.s32 $0x9;
	_ =	strace $0x80000048  }
0xb3: {  	_ =	swait.ge [sflag:s29], $0x1  }
0xb4: {  	[sflag:s29] =	ssyncadd.s32 $0xFFFFFFFF  }
0xb5: {  	_ =	strace $0x90000048  }
0xb6: {  	_ =	sfence  }
0xb7: {  	s30 =	sld [smem:$0x0];
	_ =	sdelay $0x2  }
0xb8: {  	s31 =	sshll.u32 s1, $0xD;
	s1 =	sshrl.u32 s1, $0x2  }
0xb9: {  	s3 =	sand.u32 $0x4000, s31;
	s1 =	sadd.s32 s1, s30  }
0xba: {  	s0 =	sor.u32 s3, s0;
	s1 =	sshll.u32 s1, $0x11  }
0xbb: {  	s0 =	sor.u32 s1, s0  }
0xbc: {  	s0 =	sadd.s32 $0x8F2B, s0  }
0xbd: {  	[sflag:s0] =	ssyncadd.remote.s32 $0x1  }
0xbe: {  	_ =	sfence.sel $0xFFFF  }
0xbf: {  	[dreg:$0x0] =	wrdreg $0xFFFFFFFF;
	(pc) =	sbr.abs _section_cstart, $3  }
0xc0: {  	[dreg:$0x1] =	wrdreg $0xFFFFFFFF  }
0xc1: {  	_ =	task.clear_ibuf [dreg:s7], $0x2FFFF;
	_ =	strace $0x9FFFFFFF  }
0xc2: {  	(tm) =	ssettm $0x7FFFFFFF  }
0xc3: {  	_ =	shalt  }
tec
execute0_lowered:
.L_overlay_start_1:
0x0: {  	(tag) =	ssettag $0x1  }
0x1: {  	s0 =	rddreg [dreg:$0x0]  }
0x2: {  	s1 =	rddreg [dreg:$0x1];
	s2 =	srdreg.scid  }
0x3: {  	s3 =	stileid.u32;
	s5 =	simm.s32 $0x0;
	s7 =	simm.s32 $0x80  }
0x4: {  	s8 =	simm.s32 $0x400;
	s2 =	sand.u32 $0x1, s2;
	s3 =	sshll.u32 s3, $0x1  }
0x5: {  	s28 =	simm.s32 $0x6200;
	s4 =	ssub.s32 $0x2, s2;
	s2 =	sor.u32 s2, s3  }
0x6: {  	s10 =	simm.s32 $0x1;
	s11 =	simm.s32 $0x18900;
	s6 =	smul.u32 $0x6, s2  }
.Ltmp0:
0x7: {  	s12 =	simm.s32 $0x2;
	s13 =	simm.s32 $0x1F900;
	(pc) =	sbr.rel .LBB2_1-.Ltmp0, $4  }
0x8: {  	v0 =	vlaneseq.u32;
	s16 =	simm.s32 $0x0;
	[smem:$0x7FF] =	sst s5;
	s30 =	sshrl.u32 s4, $0x1  }
0x9: {  	v1 =	vimm.s32 $0x0;
	v3 =	vimm.s32 $0x1;
	v2 =	vor.u32 $0x800, v0;
	_ =	strace $0x80000047;
	s31 =	ssub.s32 s4, s30;
	s1 =	sadd.s32 s1, s6  }
0xa: {  	v4 =	vor.u32 $0x1800, v0;
	v5 =	vor.u32 $0x2800, v0;
	v6 =	vor.u32 $0x3800, v0;
	s3 =	sadd.s32 $0xA80800, s0;
	s0 =	smax.u32 s31, $0x1;
	[dreg:$0x3] =	wrdreg s1  }
0xb: {  	v7 =	vor.u32 $0x4800, v0;
	v8 =	vor.u32 $0x5800, v0;
	v9 =	vor.u32 $0x6800, v0;
	s4 =	smul.u32 $0x30, s2;
	s2 =	simm.s32 $0x0;
	[dreg:$0x4] =	wrdreg s0  }
.LBB2_61:
0xc: {  	s0 =	simm.s32 $0x0;
	s1 =	rddreg [dreg:$0x3];
	s30 =	simm.s32 $0x3  }
0xd: {  	[hbm4b:s1+s0] =	stream.linear.scatter [tilespmem:s13], [sflag:$0x3], $0x30, $0x38;
	[tilespmem:$0x1F980] =	vst v63  }
0xe: {  	_ =	swait.ge [sflag:s30], $0x30  }
0xf: {  	s2 =	rddreg [dreg:$0x5]  }
0x10: {  	s31 =	rddreg [dreg:$0x4];
	s2 =	sadd.s32 $0x1, s2  }
0x11: {  	p0 =	sne.s32 s2, s31  }
.Ltmp1:
0x12: {  	_ = 	snop;
	(pc) =	sbr.rel @!p0 .LBB2_62-.Ltmp1, $3  }
0x13: {  	_ =	sdelay $0x1  }
0x14: {  	[sflag:s30] =	ssyncset.done $0x0  }
0x15: {  	[sflag:s30] =	ssyncadd.s32 $0xFFFFFFD0  }
.LBB2_1:
0x16: {  	[dreg:$0x5] =	wrdreg s2;
	s0 =	simm.s32 $0x40;
	s1 =	simm.s32 $0x0  }
.LBB2_2:
0x17: {  	p0 =	sne.s32 s0, $0x1BFC0;
	[tilespmem:s1+$0x18900] =	vst v1;
	s1 =	smov.u32 s0;
	s0 =	sadd.s32 $0x40, s0  }
.Ltmp2:
0x18: {  	(pc) =	sbr.rel @p0 .LBB2_2-.Ltmp2, $2  }
0x19: {  	_ =	sdelay $0x2  }
0x1a: {  	s1 =	sshra.s32 s1, $0x2  }
.Ltmp3:
0x1b: {  	(pc) =	sbr.rel .LBB2_4-.Ltmp3, $2  }
0x1c: {  	_ =	sdelay $0x2  }
0x1d: {  	[tilespmem:s1+$0x18900] =	vst v1;
	s17 =	simm.s32 $0x0  }
.LBB2_15:
0x1e: {  	v11 =	vld [tilespmem:$0xC480];
	_ =	sdelay $0x3  }
0x1f: {  	vm0 =	vgt.s32 v10, v0  }
0x20: {  	v10 =	vnsel vm0, $0x80000000, v11  }
0x21: {  	v11 =	vxor.u32 $0x80000000, v10  }
0x22: {  	(xrf1) =	vsort.dscd.msk.u32 $0xffff, v11, v10;
	_ =	sdelay $0xc  }
0x23: {  	s0 =	ssub.s32 $0x61FF, s19  }
0x24: {  	v11 =	vmov s0;
	v10, _, _ =	vpop (xrf1)  }
0x25: {  	vm15 =	veq.s32 v11, v0;
	v10 =	vxor.u32 $0x80000000, v10  }
0x26: {  	v10 =	vnsel vm15, $0x0, v10  }
0x27: {  	(xrf0) =	vadd.scan.msk.s32 $0xffff, v10;
	_ =	sdelay $0x3  }
0x28: {  	v10 =	vmov s17;
	_ =	sdelay $0x1  }
0x29: {  	v11, _, _ =	vpop (xrf0)  }
0x2a: {  	v11 =	vbroadcast v11, $0xF;
	_ =	sdelay $0x1  }
0x2b: {  	[tilespmem:v10+s13+$0x0] =	vst.idx.msk $0x1, v11  }
.LBB2_60:
0x2c: {  	s17 =	sadd.s32 $0x1, s17  }
0x2d: {  	p0 =	sne.s32 s17, $0x30  }
.Ltmp4:
0x2e: {  	_ = 	snop;
	(pc) =	sbr.rel @!p0 .LBB2_61-.Ltmp4, $1  }
0x2f: {  	_ =	sdelay $0x3  }
.LBB2_4:
0x30: {  	s0 =	sadd.s32 s4, s17  }
0x31: {  	s0 =	sshrl.u32 s0, $0x3  }
0x32: {  	s1 =	sshll.u32 s17, $0x7;
	s0 =	smul.u32 $0x62000, s0  }
0x33: {  	s1 =	sand.u32 $0x380, s1  }
0x34: {  	s0 =	sor.u32 s1, s0  }
0x35: {  	s1 =	sshrl.u32 s0, $0x3;
	s0 =	sadd.s32 $0x31000, s0  }
0x36: {  	s1 =	sadd.s32 s3, s1;
	s0 =	sshrl.u32 s0, $0x3  }
0x37: {  	[tilespmem:s16], [sflag:$0x1] =	stream.strided.gather [hbm4b:s1+s7], $0x6200, s8, s7, $0x38;
	[tilespmem:$0x1F980] =	vst v63  }
0x38: {  	s0 =	sadd.s32 s3, s0  }
0x39: {  	[tilespmem:s28], [sflag:$0x2] =	stream.strided.gather [hbm4b:s0+s7], $0x6200, s8, s7, $0x38;
	[tilespmem:$0x1F980] =	vst v63  }
0x3a: {  	_ =	swait.ge [sflag:s10], $0x6200  }
0x3b: {  	[sflag:s10] =	ssyncset.done $0x0  }
0x3c: {  	s31 =	simm.s32 $0x0;
	[sflag:s10] =	ssyncadd.s32 $0xFFFF9E00  }
0x3d: {  	v10 =	vld [tilespmem:s31+$0x0]  }
0x3e: {  	v11 =	vld [tilespmem:s31+$0x10]  }
0x3f: {  	v12 =	vld [tilespmem:s31+$0x20]  }
0x40: {  	v13 =	vld [tilespmem:s31+$0x30]  }
0x41: {  	v14 =	vld [tilespmem:s31+$0x40]  }
0x42: {  	v16 =	vld [tilespmem:s31+$0x50];
	_ =	sdelay $0x1  }
0x43: {  	v15 =	vshra.s32 v10, $0x14;
	vm0 =	vlt.s32 v10, $0x0  }
0x44: {  	vm1 =	vlt.s32 v11, $0x0;
	vm2 =	vlt.s32 v12, $0x0;
	vm11 =	vlt.s32 v13, $0x0  }
0x45: {  	vm12 =	vlt.s32 v14, $0x0;
	v10 =	vand.u32 $0xFFFFFFF0, v15;
	v15 =	vshra.s32 v11, $0x14  }
0x46: {  	v20 =	vshra.s32 v16, $0x14;
	v11 =	vxor.u32 $0x7F0, v10;
	v15 =	vand.u32 $0xFFFFFFF0, v15  }
0x47: {  	vm14 =	vlt.s32 v16, $0x0;
	v10 =	vsel vm0, v11, v10;
	v11 =	vxor.u32 $0x7F0, v15  }
0x48: {  	v61 =	vand.u32 $0xFFFFFFF0, v20;
	v17 =	vadd.s32 v2, v10;
	v10 =	vsel vm1, v11, v15  }
0x49: {  	v16 =	vxor.u32 $0x7F0, v61;
	v11 =	vshra.s32 v13, $0x14;
	v13 =	vld [tilespmem:s31+$0x60];
	v15 =	vadd.s32 v4, v10  }
0x4a: {  	v10 =	vand.u32 $0xFFFFFFF0, v11;
	v11 =	vshra.s32 v12, $0x14;
	v12 =	vshra.s32 v14, $0x14;
	v14 =	vld [tilespmem:s31+$0x70]  }
0x4b: {  	v16 =	vsel vm14, v16, v61;
	v11 =	vand.u32 $0xFFFFFFF0, v11  }
0x4c: {  	v18 =	vxor.u32 $0x7F0, v10;
	v12 =	vand.u32 $0xFFFFFFF0, v12;
	v60 =	vxor.u32 $0x7F0, v11  }
0x4d: {  	v10 =	vsel vm11, v18, v10;
	v19 =	vxor.u32 $0x7F0, v12;
	v18 =	vsel vm2, v60, v11  }
0x4e: {  	v11 =	vsel vm12, v19, v12;
	v10 =	vadd.s32 v6, v10;
	vm13 =	vlt.s32 v13, $0x0  }
0x4f: {  	v12 =	vadd.s32 v5, v18;
	v13 =	vshra.s32 v13, $0x14;
	v62 =	vshra.s32 v14, $0x14  }
0x50: {  	v11 =	vadd.s32 v7, v11;
	[tilespmem:v17+s11+$0x0] =	vst.idx.add.s32.msk $0xffff, v3;
	v17 =	vand.u32 $0xFFFFFFF0, v13;
	v18 =	vand.u32 $0xFFFFFFF0, v62  }
0x51: {  	[tilespmem:v15+s11+$0x0] =	vst.idx.add.s32.msk $0xffff, v3;
	vm15 =	vlt.s32 v14, $0x0;
	v14 =	vxor.u32 $0x7F0, v17;
	v63 =	vxor.u32 $0x7F0, v18  }
0x52: {  	s0 =	simm.s32 $0x200;
	v13 =	vadd.s32 v8, v16;
	v15 =	vsel vm13, v14, v17;
	v14 =	vsel vm15, v63, v18  }
.LBB2_5:
0x53: {  	p0 =	sne.s32 s0, $0x18600;
	v15 =	vadd.s32 v9, v15;
	s1 =	smov.u32 s0;
	s0 =	sadd.s32 $0x200, s0  }
0x54: {  	[tilespmem:v12+s11+$0x0] =	vst.idx.add.s32.msk $0xffff, v3;
	v12 =	vadd.s32 v2, v14  }
0x55: {  	[tilespmem:v10+s11+$0x0] =	vst.idx.add.s32.msk $0xffff, v3  }
0x56: {  	[tilespmem:v11+s11+$0x0] =	vst.idx.add.s32.msk $0xffff, v3  }
0x57: {  	[tilespmem:v13+s11+$0x0] =	vst.idx.add.s32.msk $0xffff, v3  }
0x58: {  	[tilespmem:v15+s11+$0x0] =	vst.idx.add.s32.msk $0xffff, v3  }
0x59: {  	s1 =	sshra.s32 s1, $0x2;
	[tilespmem:v12+s11+$0x0] =	vst.idx.add.s32.msk $0xffff, v3  }
0x5a: {  	v10 =	vld [tilespmem:s1+$0x0]  }
0x5b: {  	v11 =	vld [tilespmem:s1+$0x10]  }
0x5c: {  	v12 =	vld [tilespmem:s1+$0x20]  }
0x5d: {  	v13 =	vld [tilespmem:s1+$0x30];
	_ =	sdelay $0x1  }
0x5e: {  	vm0 =	vlt.s32 v10, $0x0;
	v14 =	vld [tilespmem:s1+$0x40];
	v10 =	vshra.s32 v10, $0x14  }
0x5f: {  	vm1 =	vlt.s32 v11, $0x0;
	v10 =	vand.u32 $0xFFFFFFF0, v10;
	v11 =	vshra.s32 v11, $0x14  }
0x60: {  	vm2 =	vlt.s32 v12, $0x0;
	v15 =	vld [tilespmem:s1+$0x50];
	v16 =	vxor.u32 $0x7F0, v10;
	v11 =	vand.u32 $0xFFFFFFF0, v11  }
0x61: {  	vm3 =	vlt.s32 v13, $0x0;
	v10 =	vsel vm0, v16, v10;
	v16 =	vxor.u32 $0x7F0, v11  }
0x62: {  	v17 =	vadd.s32 v2, v10;
	v10 =	vsel vm1, v16, v11;
	v11 =	vshra.s32 v13, $0x14  }
0x63: {  	vm0 =	vlt.s32 v14, $0x0;
	v13 =	vld [tilespmem:s1+$0x60];
	v16 =	vadd.s32 v4, v10;
	v10 =	vand.u32 $0xFFFFFFF0, v11  }
0x64: {  	v11 =	vshra.s32 v12, $0x14;
	v14 =	vshra.s32 v14, $0x14;
	v18 =	vld [tilespmem:s1+$0x70];
	v12 =	vxor.u32 $0x7F0, v10  }
0x65: {  	v11 =	vand.u32 $0xFFFFFFF0, v11;
	v10 =	vsel vm3, v12, v10;
	v12 =	vand.u32 $0xFFFFFFF0, v14  }
0x66: {  	v14 =	vxor.u32 $0x7F0, v11;
	v20 =	vshra.s32 v15, $0x14;
	v19 =	vxor.u32 $0x7F0, v12  }
0x67: {  	v14 =	vsel vm2, v14, v11;
	v10 =	vadd.s32 v6, v10;
	v11 =	vsel vm0, v19, v12  }
0x68: {  	vm0 =	vlt.s32 v13, $0x0;
	[tilespmem:v17+s11+$0x0] =	vst.idx.add.s32.msk $0xffff, v3;
	v11 =	vadd.s32 v7, v11;
	v17 =	vand.u32 $0xFFFFFFF0, v20  }
.Ltmp5:
0x69: {  	vm1 =	vlt.s32 v15, $0x0;
	v12 =	vadd.s32 v5, v14;
	[tilespmem:v16+s11+$0x0] =	vst.idx.add.s32.msk $0xffff, v3;
	v14 =	vxor.u32 $0x7F0, v17;
	(pc) =	sbr.rel @p0 .LBB2_5-.Ltmp5, $4  }
0x6a: {  	v15 =	vshra.s32 v13, $0x14;
	v16 =	vshra.s32 v18, $0x14;
	v14 =	vsel vm1, v14, v17  }
0x6b: {  	v16 =	vand.u32 $0xFFFFFFF0, v16;
	v13 =	vadd.s32 v8, v14;
	v14 =	vand.u32 $0xFFFFFFF0, v15  }
0x6c: {  	vm1 =	vlt.s32 v18, $0x0;
	v17 =	vxor.u32 $0x7F0, v16;
	v15 =	vxor.u32 $0x7F0, v14  }
0x6d: {  	v15 =	vsel vm0, v15, v14;
	v14 =	vsel vm1, v17, v16  }
0x6e: {  	_ =	sdelay $0x2  }
0x6f: {  	v15 =	vadd.s32 v9, v15  }
0x70: {  	[tilespmem:v12+s11+$0x0] =	vst.idx.add.s32.msk $0xffff, v3;
	v12 =	vadd.s32 v2, v14  }
0x71: {  	[tilespmem:v10+s11+$0x0] =	vst.idx.add.s32.msk $0xffff, v3  }
0x72: {  	[tilespmem:v11+s11+$0x0] =	vst.idx.add.s32.msk $0xffff, v3  }
0x73: {  	[tilespmem:v13+s11+$0x0] =	vst.idx.add.s32.msk $0xffff, v3  }
0x74: {  	[tilespmem:v15+s11+$0x0] =	vst.idx.add.s32.msk $0xffff, v3  }
0x75: {  	[tilespmem:v12+s11+$0x0] =	vst.idx.add.s32.msk $0xffff, v3  }
0x76: {  	_ =	swait.ge [sflag:s12], $0x6200  }
0x77: {  	[sflag:s12] =	ssyncset.done $0x0  }
0x78: {  	s0 =	simm.s32 $0x0;
	[sflag:s12] =	ssyncadd.s32 $0xFFFF9E00  }
0x79: {  	v10 =	vld [tilespmem:s0+$0x6200]  }
0x7a: {  	v11 =	vld [tilespmem:s0+$0x6210]  }
0x7b: {  	v12 =	vld [tilespmem:s0+$0x6220]  }
0x7c: {  	v13 =	vld [tilespmem:s0+$0x6230]  }
0x7d: {  	v14 =	vld [tilespmem:s0+$0x6240]  }
0x7e: {  	v16 =	vld [tilespmem:s0+$0x6250];
	_ =	sdelay $0x1  }
0x7f: {  	v15 =	vshra.s32 v10, $0x14;
	vm0 =	vlt.s32 v10, $0x0  }
0x80: {  	vm1 =	vlt.s32 v11, $0x0;
	vm2 =	vlt.s32 v12, $0x0;
	vm11 =	vlt.s32 v13, $0x0  }
0x81: {  	vm12 =	vlt.s32 v14, $0x0;
	v10 =	vand.u32 $0xFFFFFFF0, v15;
	v15 =	vshra.s32 v11, $0x14  }
0x82: {  	v20 =	vshra.s32 v16, $0x14;
	v11 =	vxor.u32 $0x7F0, v10;
	v15 =	vand.u32 $0xFFFFFFF0, v15  }
0x83: {  	vm14 =	vlt.s32 v16, $0x0;
	v10 =	vsel vm0, v11, v10;
	v11 =	vxor.u32 $0x7F0, v15  }
0x84: {  	v61 =	vand.u32 $0xFFFFFFF0, v20;
	v17 =	vadd.s32 v2, v10;
	v10 =	vsel vm1, v11, v15  }
0x85: {  	v16 =	vxor.u32 $0x7F0, v61;
	v11 =	vshra.s32 v13, $0x14;
	v13 =	vld [tilespmem:s0+$0x6260];
	v15 =	vadd.s32 v4, v10  }
0x86: {  	v10 =	vand.u32 $0xFFFFFFF0, v11;
	v11 =	vshra.s32 v12, $0x14;
	v12 =	vshra.s32 v14, $0x14;
	v14 =	vld [tilespmem:s0+$0x6270]  }
0x87: {  	v16 =	vsel vm14, v16, v61;
	v11 =	vand.u32 $0xFFFFFFF0, v11  }
0x88: {  	v18 =	vxor.u32 $0x7F0, v10;
	v12 =	vand.u32 $0xFFFFFFF0, v12;
	v60 =	vxor.u32 $0x7F0, v11  }
0x89: {  	v10 =	vsel vm11, v18, v10;
	v19 =	vxor.u32 $0x7F0, v12;
	v18 =	vsel vm2, v60, v11  }
0x8a: {  	v11 =	vsel vm12, v19, v12;
	v10 =	vadd.s32 v6, v10;
	vm13 =	vlt.s32 v13, $0x0  }
0x8b: {  	s18 =	simm.s32 $0x18900;
	v12 =	vadd.s32 v5, v18;
	v13 =	vshra.s32 v13, $0x14;
	v62 =	vshra.s32 v14, $0x14  }
0x8c: {  	v11 =	vadd.s32 v7, v11;
	[tilespmem:v17+s18+$0x0] =	vst.idx.add.s32.msk $0xffff, v3;
	v17 =	vand.u32 $0xFFFFFFF0, v13;
	v18 =	vand.u32 $0xFFFFFFF0, v62  }
0x8d: {  	[tilespmem:v15+s18+$0x0] =	vst.idx.add.s32.msk $0xffff, v3;
	vm15 =	vlt.s32 v14, $0x0;
	v14 =	vxor.u32 $0x7F0, v17;
	v63 =	vxor.u32 $0x7F0, v18  }
0x8e: {  	s1 =	simm.s32 $0x200;
	s0 =	simm.s32 $0x0;
	v13 =	vadd.s32 v8, v16;
	v15 =	vsel vm13, v14, v17;
	v14 =	vsel vm15, v63, v18  }
.LBB2_7:
0x8f: {  	p0 =	sne.s32 s1, $0x18600;
	v15 =	vadd.s32 v9, v15;
	s2 =	smov.u32 s1;
	s1 =	sadd.s32 $0x200, s1  }
0x90: {  	[tilespmem:v12+s18+$0x0] =	vst.idx.add.s32.msk $0xffff, v3;
	v12 =	vadd.s32 v2, v14  }
0x91: {  	[tilespmem:v10+s18+$0x0] =	vst.idx.add.s32.msk $0xffff, v3  }
0x92: {  	[tilespmem:v11+s18+$0x0] =	vst.idx.add.s32.msk $0xffff, v3  }
0x93: {  	[tilespmem:v13+s18+$0x0] =	vst.idx.add.s32.msk $0xffff, v3  }
0x94: {  	[tilespmem:v15+s18+$0x0] =	vst.idx.add.s32.msk $0xffff, v3  }
0x95: {  	s2 =	sshra.s32 s2, $0x2;
	[tilespmem:v12+s18+$0x0] =	vst.idx.add.s32.msk $0xffff, v3  }
0x96: {  	v10 =	vld [tilespmem:s2+$0x6200]  }
0x97: {  	v11 =	vld [tilespmem:s2+$0x6210]  }
0x98: {  	v12 =	vld [tilespmem:s2+$0x6220]  }
0x99: {  	v13 =	vld [tilespmem:s2+$0x6230];
	_ =	sdelay $0x1  }
0x9a: {  	vm0 =	vlt.s32 v10, $0x0;
	v14 =	vld [tilespmem:s2+$0x6240];
	v10 =	vshra.s32 v10, $0x14  }
0x9b: {  	vm1 =	vlt.s32 v11, $0x0;
	v10 =	vand.u32 $0xFFFFFFF0, v10;
	v11 =	vshra.s32 v11, $0x14  }
0x9c: {  	vm2 =	vlt.s32 v12, $0x0;
	v15 =	vld [tilespmem:s2+$0x6250];
	v16 =	vxor.u32 $0x7F0, v10;
	v11 =	vand.u32 $0xFFFFFFF0, v11  }
0x9d: {  	vm3 =	vlt.s32 v13, $0x0;
	v10 =	vsel vm0, v16, v10;
	v16 =	vxor.u32 $0x7F0, v11  }
0x9e: {  	v17 =	vadd.s32 v2, v10;
	v10 =	vsel vm1, v16, v11;
	v11 =	vshra.s32 v13, $0x14  }
0x9f: {  	vm0 =	vlt.s32 v14, $0x0;
	v13 =	vld [tilespmem:s2+$0x6260];
	v16 =	vadd.s32 v4, v10;
	v10 =	vand.u32 $0xFFFFFFF0, v11  }
0xa0: {  	v11 =	vshra.s32 v12, $0x14;
	v14 =	vshra.s32 v14, $0x14;
	v18 =	vld [tilespmem:s2+$0x6270];
	v12 =	vxor.u32 $0x7F0, v10  }
0xa1: {  	v11 =	vand.u32 $0xFFFFFFF0, v11;
	v10 =	vsel vm3, v12, v10;
	v12 =	vand.u32 $0xFFFFFFF0, v14  }
0xa2: {  	v14 =	vxor.u32 $0x7F0, v11;
	v20 =	vshra.s32 v15, $0x14;
	v19 =	vxor.u32 $0x7F0, v12  }
0xa3: {  	v14 =	vsel vm2, v14, v11;
	v10 =	vadd.s32 v6, v10;
	v11 =	vsel vm0, v19, v12  }
0xa4: {  	vm0 =	vlt.s32 v13, $0x0;
	[tilespmem:v17+s18+$0x0] =	vst.idx.add.s32.msk $0xffff, v3;
	v11 =	vadd.s32 v7, v11;
	v17 =	vand.u32 $0xFFFFFFF0, v20  }
.Ltmp6:
0xa5: {  	vm1 =	vlt.s32 v15, $0x0;
	v12 =	vadd.s32 v5, v14;
	[tilespmem:v16+s18+$0x0] =	vst.idx.add.s32.msk $0xffff, v3;
	v14 =	vxor.u32 $0x7F0, v17;
	(pc) =	sbr.rel @p0 .LBB2_7-.Ltmp6, $4  }
0xa6: {  	v15 =	vshra.s32 v13, $0x14;
	v16 =	vshra.s32 v18, $0x14;
	v14 =	vsel vm1, v14, v17  }
0xa7: {  	v16 =	vand.u32 $0xFFFFFFF0, v16;
	v13 =	vadd.s32 v8, v14;
	v14 =	vand.u32 $0xFFFFFFF0, v15  }
0xa8: {  	vm1 =	vlt.s32 v18, $0x0;
	v17 =	vxor.u32 $0x7F0, v16;
	v15 =	vxor.u32 $0x7F0, v14  }
0xa9: {  	v15 =	vsel vm0, v15, v14;
	v14 =	vsel vm1, v17, v16  }
0xaa: {  	_ =	sdelay $0x2  }
0xab: {  	v15 =	vadd.s32 v9, v15  }
0xac: {  	[tilespmem:v12+s18+$0x0] =	vst.idx.add.s32.msk $0xffff, v3;
	v63 =	vadd.s32 v2, v14  }
0xad: {  	p0 =	por $0x0, $0x0;
	[tilespmem:v10+s18+$0x0] =	vst.idx.add.s32.msk $0xffff, v3  }
.Ltmp7:
0xae: {  	[tilespmem:v11+s18+$0x0] =	vst.idx.add.s32.msk $0xffff, v3;
	(pc) =	sbr.rel @p0 .LBB2_10-.Ltmp7, $4  }
0xaf: {  	[tilespmem:v13+s18+$0x0] =	vst.idx.add.s32.msk $0xffff, v3  }
0xb0: {  	[tilespmem:v15+s18+$0x0] =	vst.idx.add.s32.msk $0xffff, v3  }
0xb1: {  	s0 =	sand.u32 $0xFF0, s0;
	[tilespmem:v63+s18+$0x0] =	vst.idx.add.s32.msk $0xffff, v3  }
0xb2: {  	s1 =	simm.s32 $0x10;
	v10 =	vld [tilespmem:s0+$0x19900]  }
.LBB2_9:
0xb3: {  	p0 =	seq.s32 s1, $0xFF0;
	v11 =	vld [tilespmem:s18+$0x0]  }
0xb4: {  	v12 =	vld [tilespmem:s0+$0x1A900]  }
0xb5: {  	v13 =	vld [tilespmem:s0+$0x1B900]  }
0xb6: {  	v14 =	vld [tilespmem:s0+$0x1C900]  }
0xb7: {  	v15 =	vld [tilespmem:s0+$0x1D900]  }
0xb8: {  	v16 =	vld [tilespmem:s0+$0x1E900];
	v10 =	vadd.s32 v11, v10;
	[tilespmem:s0+$0x19900] =	vst v1  }
0xb9: {  	v10 =	vadd.s32 v12, v10;
	[tilespmem:s0+$0x1A900] =	vst v1  }
0xba: {  	v10 =	vadd.s32 v13, v10;
	[tilespmem:s0+$0x1B900] =	vst v1  }
.Ltmp8:
0xbb: {  	v10 =	vadd.s32 v14, v10;
	[tilespmem:s0+$0x1C900] =	vst v1;
	(pc) =	sbr.rel @!p0 .LBB2_9-.Ltmp8, $4  }
0xbc: {  	v10 =	vadd.s32 v15, v10;
	[tilespmem:s0+$0x1D900] =	vst v1  }
0xbd: {  	v10 =	vadd.s32 v16, v10;
	[tilespmem:s0+$0x1E900] =	vst v1  }
0xbe: {  	s0 =	sand.u32 $0xFF0, s1;
	[tilespmem:s18+$0x0] =	vst v10  }
0xbf: {  	s1 =	sadd.s32 $0x10, s1;
	s18 =	sadd.s32 $0x10, s18;
	v10 =	vld [tilespmem:s0+$0x19900]  }
.LBB2_10:
0xc0: {  	v11 =	vld [tilespmem:s18+$0x0]  }
0xc1: {  	v12 =	vld [tilespmem:s0+$0x1A900]  }
0xc2: {  	v13 =	vld [tilespmem:s0+$0x1B900]  }
0xc3: {  	v14 =	vld [tilespmem:s0+$0x1C900]  }
0xc4: {  	v15 =	vld [tilespmem:s0+$0x1D900]  }
0xc5: {  	v16 =	vld [tilespmem:s0+$0x1E900];
	[tilespmem:s0+$0x19900] =	vst v1;
	v10 =	vadd.s32 v11, v10  }
0xc6: {  	[tilespmem:s0+$0x1A900] =	vst v1;
	v10 =	vadd.s32 v12, v10  }
0xc7: {  	[tilespmem:s0+$0x1B900] =	vst v1;
	v10 =	vadd.s32 v13, v10  }
0xc8: {  	[tilespmem:s0+$0x1C900] =	vst v1;
	v10 =	vadd.s32 v14, v10  }
0xc9: {  	[tilespmem:s0+$0x1D900] =	vst v1;
	v10 =	vadd.s32 v15, v10  }
0xca: {  	[tilespmem:s0+$0x1E900] =	vst v1;
	v10 =	vadd.s32 v16, v10  }
0xcb: {  	s29 =	simm.s32 $0x198F0;
	[tilespmem:s18+$0x0] =	vst v10  }
0xcc: {  	v10 =	vld [tilespmem:s29+$0x0];
	_ =	sdelay $0x4  }
0xcd: {  	(xrf0) =	vadd.scan.msk.s32 $0xffff, v10;
	_ =	sdelay $0x5  }
0xce: {  	v10, _, _ =	vpop (xrf0)  }
0xcf: {  	(v2sf) =	vpush v10, $0xF;
	_ =	sdelay $0x1  }
0xd0: {  	s30 =	simm.s32 $0x198E0;
	[tilespmem:s29+$0x0] =	vst v1  }
0xd1: {  	v10 =	vld [tilespmem:s30+$0x0];
	_ =	sdelay $0x2  }
0xd2: {  	s5 =	simm.s32 $0x198D0;
	[tilespmem:s30+$0x0] =	vst v1  }
0xd3: {  	v11 =	vld [tilespmem:s5+$0x0]  }
0xd4: {  	(xrf0) =	vadd.scan.msk.s32 $0xffff, v10;
	_ =	sdelay $0x3  }
0xd5: {  	(xrf0) =	vadd.scan.msk.s32 $0xffff, v11;
	_ =	sdelay $0x1  }
0xd6: {  	v10, _, _ =	vpop (xrf0)  }
0xd7: {  	s31 =	spop (v2sf);
	(v2sf) =	vpush v10, $0xF  }
0xd8: {  	s6 =	simm.s32 $0x198C0;
	[tilespmem:s5+$0x0] =	vst v1  }
0xd9: {  	v11 =	vld [tilespmem:s6+$0x0]  }
0xda: {  	v63, _, _ =	vpop (xrf0)  }
0xdb: {  	s1 =	simm.s32 $0xFF;
	s2 =	simm.s32 $0xFE;
	(v2sf) =	vpush v63, $0xF  }
0xdc: {  	s0 =	simm.s32 $0xFD;
	s26 =	simm.s32 $0xFC;
	s24 =	simm.s32 $0xFB  }
0xdd: {  	s25 =	simm.s32 $0xFA;
	s23 =	simm.s32 $0xF9;
	s22 =	simm.s32 $0xF8  }
0xde: {  	p0 =	por $0x1, $0x1;
	s21 =	simm.s32 $0xF7;
	s20 =	simm.s32 $0xF6;
	(xrf0) =	vadd.scan.msk.s32 $0xffff, v11  }
0xdf: {  	s15 =	simm.s32 $0xF5;
	[tilespmem:s6+$0x0] =	vst v1;
	s6 =	simm.s32 $0x198B0;
	s5 =	sadd.s32 $0x0, s31  }
0xe0: {  	s14 =	simm.s32 $0x0;
	p0 =	por p0, p0;
	v10 =	vld [tilespmem:s6+$0x0];
	p1 =	sgt.s32 s5, $0x61FF  }
0xe1: {  	s19 =	simm.s32 $0x0;
	p2 =	slt.s32 s5, $0x6200;
	p0 =	por !p0, !p1  }
0xe2: {  	s18 =	simm.s32 $0x0;
	[tilespmem:s6+$0x0] =	vst v1;
	p1 =	por !p0, !p0;
	p0 =	por p2, p2  }
.LBB2_11:
0xe3: {  	p2 =	seq.s32 s15, $0x0;
	s18 =	smov.u32 @p1 s1;
	s19 =	smov.u32 @p1 s14  }
0xe4: {  	v11, _, _ =	vpop (xrf0);
	s14 =	smov.u32 s5;
	s1 =	smov.u32 s2;
	s2 =	smov.u32 s0  }
0xe5: {  	s0 =	smov.u32 s26;
	s26 =	smov.u32 s24;
	s24 =	smov.u32 s25;
	(xrf0) =	vadd.scan.msk.s32 $0xffff, v10;
	(v2sf) =	vpush v11, $0xF  }
.Ltmp9:
0xe6: {  	s6 =	sadd.s32 $0xFFFFFFF0, s6;
	s9 =	spop (v2sf);
	(pc) =	sbr.rel @!p2 .LBB2_11-.Ltmp9, $4  }
0xe7: {  	s25 =	smov.u32 s23;
	s23 =	smov.u32 s22;
	v10 =	vld [tilespmem:s6+$0x0];
	[tilespmem:s6+$0x0] =	vst v1;
	s5 =	sadd.s32 s5, s9  }
0xe8: {  	s22 =	smov.u32 s21;
	p3 =	slt.s32 s5, $0x6200;
	p1 =	sgt.s32 s5, $0x61FF  }
0xe9: {  	s21 =	smov.u32 s20;
	s20 =	smov.u32 s15;
	p0 =	por !p0, !p1  }
0xea: {  	s15 =	sadd.s32 $0xFFFFFFFF, s15;
	p1 =	por !p0, !p0;
	p0 =	por p3, p3  }
0xeb: {  	s6 =	sadd.s32 $0xFFFFFFF0, s6  }
0xec: {  	v11 =	vld [tilespmem:s6+$0x0];
	[tilespmem:s6+$0x0] =	vst v1;
	s6 =	sadd.s32 $0xFFFFFFF0, s6  }
0xed: {  	v12 =	vld [tilespmem:s6+$0x0];
	_ =	sdelay $0x2  }
0xee: {  	(xrf0) =	vadd.scan.msk.s32 $0xffff, v10  }
0xef: {  	(xrf0) =	vadd.scan.msk.s32 $0xffff, v11  }
0xf0: {  	(xrf0) =	vadd.scan.msk.s32 $0xffff, v12  }
0xf1: {  	v10, _, _ =	vpop (xrf0)  }
0xf2: {  	[tilespmem:s6+$0x0] =	vst v1;
	s6 =	sadd.s32 $0xFFFFFFF0, s6;
	(v2sf) =	vpush v10, $0xF  }
0xf3: {  	v11 =	vld [tilespmem:s6+$0x0]  }
0xf4: {  	[tilespmem:s6+$0x0] =	vst v1;
	s6 =	sadd.s32 $0xFFFFFFF0, s6;
	v10, _, _ =	vpop (xrf0)  }
0xf5: {  	v12 =	vld [tilespmem:s6+$0x0];
	(v2sf) =	vpush v10, $0xF;
	v10, _, _ =	vpop (xrf0)  }
0xf6: {  	[tilespmem:s6+$0x0] =	vst v1;
	s6 =	sadd.s32 $0xFFFFFFF0, s6;
	(v2sf) =	vpush v10, $0xF;
	v10, _, _ =	vpop (xrf0)  }
0xf7: {  	(v2sf) =	vpush v10, $0xF;
	v10 =	vld [tilespmem:s6+$0x0]  }
0xf8: {  	(xrf0) =	vadd.scan.msk.s32 $0xffff, v11;
	_ =	sdelay $0x1  }
0xf9: {  	(xrf0) =	vadd.scan.msk.s32 $0xffff, v12  }
0xfa: {  	s9 =	spop (v2sf)  }
0xfb: {  	s18 =	smov.u32 @p1 s1;
	s9 =	sadd.s32 s5, s9;
	(xrf0) =	vadd.scan.msk.s32 $0xffff, v10  }
0xfc: {  	s19 =	smov.u32 @p1 s14;
	p2 =	sgt.s32 s9, $0x61FF;
	s29 =	spop (v2sf)  }
0xfd: {  	p5 =	slt.s32 s9, $0x6200;
	p0 =	por !p0, !p2;
	s1 =	sadd.s32 s9, s29;
	v10, _, _ =	vpop (xrf0)  }
0xfe: {  	p1 =	por p5, p5;
	p0 =	por !p0, !p0;
	p6 =	sgt.s32 s1, $0x61FF;
	(v2sf) =	vpush v10, $0xF  }
0xff: {  	s18 =	smov.u32 @p0 s2;
	p3 =	por !p1, !p6;
	v10, _, _ =	vpop (xrf0)  }
0x100: {  	s19 =	smov.u32 @p0 s5;
	p0 =	por !p3, !p3;
	s30 =	spop (v2sf);
	(v2sf) =	vpush v10, $0xF  }
0x101: {  	p4 =	slt.s32 s1, $0x6200;
	s18 =	smov.u32 @p0 s0;
	s0 =	sadd.s32 s1, s30;
	v10, _, _ =	vpop (xrf0)  }
0x102: {  	p1 =	por p4, p4;
	s19 =	smov.u32 @p0 s9;
	p5 =	sgt.s32 s0, $0x61FF;
	(v2sf) =	vpush v10, $0xF  }
0x103: {  	p6 =	slt.s32 s0, $0x6200;
	p0 =	por !p1, !p5;
	s31 =	spop (v2sf)  }
0x104: {  	p2 =	por p6, p6;
	p0 =	por !p0, !p0;
	s5 =	sadd.s32 s0, s31  }
0x105: {  	s18 =	smov.u32 @p0 s26;
	s19 =	smov.u32 @p0 s1;
	p3 =	sgt.s32 s5, $0x61FF  }
0x106: {  	s31 =	simm.s32 $0x0;
	p4 =	slt.s32 s5, $0x6200;
	p0 =	por !p2, !p3  }
0x107: {  	p5 =	por p4, p4;
	p0 =	por !p0, !p0;
	s14 =	spop (v2sf)  }
0x108: {  	s18 =	smov.u32 @p0 s24;
	s15 =	spop (v2sf);
	s1 =	sadd.s32 s5, s14  }
0x109: {  	s19 =	smov.u32 @p0 s0;
	p6 =	sgt.s32 s1, $0x61FF;
	s0 =	sadd.s32 s1, s15  }
0x10a: {  	p2 =	slt.s32 s1, $0x6200;
	p1 =	por !p5, !p6;
	p3 =	sgt.s32 s0, $0x61FF  }
0x10b: {  	[tilespmem:s6+$0x0] =	vst v1;
	p5 =	slt.s32 s0, $0x6200;
	p0 =	por !p1, !p1;
	p1 =	por p2, p2  }
0x10c: {  	v11 =	vld [tilespmem:s31+$0x10];
	s18 =	smov.u32 @p0 s25;
	s19 =	smov.u32 @p0 s5;
	p4 =	por !p1, !p3  }
0x10d: {  	v12 =	vld [tilespmem:s31+$0x20];
	p1 =	por p5, p5;
	p0 =	por !p4, !p4;
	s26 =	spop (v2sf)  }
0x10e: {  	v13 =	vld [tilespmem:s31+$0x0];
	s18 =	smov.u32 @p0 s23;
	s19 =	smov.u32 @p0 s1;
	s2 =	sadd.s32 s0, s26  }
0x10f: {  	v18 =	vld [tilespmem:s31+$0x30];
	s29 =	spop (v2sf);
	p6 =	sgt.s32 s2, $0x61FF;
	p3 =	slt.s32 s2, $0x6200  }
0x110: {  	v14 =	vld [tilespmem:s31+$0x50];
	s1 =	sadd.s32 s2, s29;
	p1 =	por !p1, !p6;
	p0 =	por p3, p3  }
0x111: {  	v16 =	vld [tilespmem:s31+$0x60];
	p4 =	slt.s32 s1, $0x6200;
	p3 =	sgt.s32 s1, $0x61FF;
	s30 =	spop (v2sf)  }
0x112: {  	v15 =	vxor.u32 $0x7FFFFFFF, v11;
	vm0 =	vlt.s32 v11, $0x0;
	p1 =	por !p1, !p1;
	p0 =	por !p0, !p3;
	s5 =	sadd.s32 s1, s30  }
0x113: {  	v17 =	vxor.u32 $0x7FFFFFFF, v12;
	vm1 =	vlt.s32 v12, $0x0;
	v19 =	vxor.u32 $0x7FFFFFFF, v13;
	p2 =	por p4, p4;
	s18 =	smov.u32 @p1 s22;
	p5 =	sgt.s32 s5, $0x61FF  }
0x114: {  	vm2 =	vlt.s32 v13, $0x0;
	vm3 =	vlt.s32 v18, $0x0;
	v12 =	vsel vm1, v17, v12;
	s19 =	smov.u32 @p1 s0;
	p0 =	por !p0, !p0;
	p6 =	por !p2, !p5  }
0x115: {  	v19 =	vsel vm2, v19, v13;
	v13 =	vsel vm0, v15, v11;
	vm0 =	vlt.s32 v14, $0x0;
	s18 =	smov.u32 @p0 s21;
	s19 =	smov.u32 @p0 s2;
	p0 =	por !p6, !p6  }
0x116: {  	v17 =	vxor.u32 $0x7FFFFFFF, v14;
	vm1 =	vlt.s32 v16, $0x0;
	v11 =	vshra.s32 v19, $0x18;
	s18 =	smov.u32 @p0 s20  }
0x117: {  	v21 =	vld [tilespmem:s31+$0x40];
	v15 =	vshra.s32 v12, $0x18;
	v20 =	vadd.s32 $0x80, v11;
	v10 =	vmov s18  }
0x118: {  	v11 =	vsel vm0, v17, v14;
	v14 =	vxor.u32 $0x7FFFFFFF, v16;
	vm2 =	veq.s32 v20, v10  }
0x119: {  	v15 =	vadd.s32 $0x80, v15;
	v14 =	vsel vm1, v14, v16;
	v17 =	vsel vm2, $0x1, v1  }
0x11a: {  	v22 =	vshra.s32 v13, $0x18;
	v63 =	vshra.s32 v14, $0x18;
	vm0 =	veq.s32 v15, v10;
	(xrf0) =	vadd.scan.msk.s32 $0xffff, v17  }
0x11b: {  	v20 =	vxor.u32 $0x7FFFFFFF, v18;
	v15 =	vadd.s32 $0x80, v22;
	v16 =	vsel vm0, $0x1, v1  }
0x11c: {  	s20 =	simm.s32 $0x0;
	vm1 =	veq.s32 v15, v10;
	v15 =	vsel vm3, v20, v18;
	vm3 =	vlt.s32 v21, $0x0;
	v17 =	vld [tilespmem:s31+$0x70];
	(xrf0) =	vadd.scan.msk.s32 $0xffff, v16  }
0x11d: {  	v18 =	vxor.u32 $0x7FFFFFFF, v21;
	v20 =	vsel vm1, $0x1, v1;
	[tilespmem:s20+$0xC480] =	vst.msk vm2, v19;
	v16 =	vshra.s32 v15, $0x18  }
0x11e: {  	s21 =	simm.s32 $0x200;
	s19 =	smov.u32 @p0 s1;
	v19 =	vadd.s32 $0x80, v16;
	v16 =	vsel vm3, v18, v21;
	v18 =	vadd.s32 $0x80, v63;
	(xrf0) =	vadd.scan.msk.s32 $0xffff, v20  }
.LBB2_13:
0x11f: {  	p0 =	sne.s32 s21, $0x30E00;
	v20 =	vshra.s32 v16, $0x18;
	v22 =	vshra.s32 v11, $0x18;
	s0 =	smov.u32 s21;
	s21 =	sadd.s32 $0x200, s21  }
0x120: {  	vm2 =	veq.s32 v19, v10;
	v19 =	vadd.s32 $0x80, v20;
	v20 =	vadd.s32 $0x80, v22;
	v21, _, _ =	vpop (xrf0)  }
0x121: {  	vm6 =	vlt.s32 v17, $0x0;
	vm3 =	veq.s32 v19, v10;
	v19 =	vsel vm2, $0x1, v1  }
0x122: {  	vm4 =	veq.s32 v20, v10;
	v22 =	vsel vm3, $0x1, v1;
	(v2sf) =	vpush v21, $0xF;
	v21, _, _ =	vpop (xrf0);
	(xrf0) =	vadd.scan.msk.s32 $0xffff, v19  }
0x123: {  	vm5 =	veq.s32 v18, v10;
	v18 =	vxor.u32 $0x7FFFFFFF, v17;
	v19 =	vsel vm4, $0x1, v1;
	(xrf0) =	vadd.scan.msk.s32 $0xffff, v22  }
0x124: {  	v17 =	vsel vm6, v18, v17;
	v18 =	vsel vm5, $0x1, v1;
	v20, _, _ =	vpop (xrf0);
	(xrf0) =	vadd.scan.msk.s32 $0xffff, v19  }
0x125: {  	v19 =	vshra.s32 v17, $0x18;
	(v2sf) =	vpush v20, $0xF;
	(xrf0) =	vadd.scan.msk.s32 $0xffff, v18  }
0x126: {  	s0 =	sshra.s32 s0, $0x2;
	v18 =	vadd.s32 $0x80, v19  }
0x127: {  	vm6 =	veq.s32 v18, v10  }
0x128: {  	v20 =	vsel vm6, $0x1, v1;
	(v2sf) =	vpush v21, $0xF;
	v19, _, _ =	vpop (xrf0)  }
0x129: {  	(v2sf) =	vpush v19, $0xF;
	v19, _, _ =	vpop (xrf0);
	(xrf0) =	vadd.scan.msk.s32 $0xffff, v20  }
0x12a: {  	(v2sf) =	vpush v19, $0xF;
	v18, _, _ =	vpop (xrf0)  }
0x12b: {  	(v2sf) =	vpush v18, $0xF;
	v18, _, _ =	vpop (xrf0)  }
0x12c: {  	(v2sf) =	vpush v18, $0xF;
	_ =	sdelay $0x2  }
0x12d: {  	v18, _, _ =	vpop (xrf0)  }
0x12e: {  	(v2sf) =	vpush v18, $0xF  }
0x12f: {  	s1 =	spop (v2sf);
	_ =	sdelay $0x2  }
0x130: {  	s2 =	spop (v2sf);
	_ =	sdelay $0x1  }
0x131: {  	s1 =	sadd.s32 s20, s1  }
0x132: {  	[tilespmem:s1+$0xC480] =	vst.msk vm1, v13;
	s1 =	sadd.s32 s2, s1;
	s2 =	spop (v2sf)  }
0x133: {  	[tilespmem:s1+$0xC480] =	vst.msk vm0, v12;
	s1 =	sadd.s32 s2, s1;
	s2 =	spop (v2sf)  }
0x134: {  	[tilespmem:s1+$0xC480] =	vst.msk vm2, v15;
	s1 =	sadd.s32 s2, s1;
	s2 =	spop (v2sf)  }
0x135: {  	[tilespmem:s1+$0xC480] =	vst.msk vm3, v16;
	s1 =	sadd.s32 s2, s1;
	s2 =	spop (v2sf)  }
0x136: {  	[tilespmem:s1+$0xC480] =	vst.msk vm4, v11;
	s1 =	sadd.s32 s2, s1;
	s2 =	spop (v2sf)  }
0x137: {  	[tilespmem:s1+$0xC480] =	vst.msk vm5, v14;
	s1 =	sadd.s32 s2, s1  }
0x138: {  	[tilespmem:s1+$0xC480] =	vst.msk vm6, v17  }
0x139: {  	v11 =	vld [tilespmem:s0+$0x10]  }
0x13a: {  	v12 =	vld [tilespmem:s0+$0x20];
	s2 =	spop (v2sf)  }
0x13b: {  	v13 =	vld [tilespmem:s0+$0x0];
	s20 =	sadd.s32 s2, s1  }
0x13c: {  	v14 =	vld [tilespmem:s0+$0x50];
	_ =	sdelay $0x1  }
0x13d: {  	v15 =	vxor.u32 $0x7FFFFFFF, v11;
	v16 =	vld [tilespmem:s0+$0x60]  }
0x13e: {  	vm0 =	vlt.s32 v11, $0x0;
	v17 =	vxor.u32 $0x7FFFFFFF, v12;
	vm1 =	vlt.s32 v12, $0x0;
	v18 =	vld [tilespmem:s0+$0x30]  }
0x13f: {  	v19 =	vxor.u32 $0x7FFFFFFF, v13;
	vm2 =	vlt.s32 v13, $0x0;
	v12 =	vsel vm1, v17, v12  }
0x140: {  	v19 =	vsel vm2, v19, v13;
	v13 =	vsel vm0, v15, v11;
	vm0 =	vlt.s32 v14, $0x0  }
0x141: {  	v15 =	vshra.s32 v12, $0x18;
	v17 =	vxor.u32 $0x7FFFFFFF, v14;
	v11 =	vshra.s32 v19, $0x18  }
0x142: {  	v20 =	vadd.s32 $0x80, v11;
	v21 =	vld [tilespmem:s0+$0x40];
	v11 =	vsel vm0, v17, v14;
	v14 =	vxor.u32 $0x7FFFFFFF, v16  }
0x143: {  	vm1 =	vlt.s32 v16, $0x0;
	vm2 =	veq.s32 v20, v10;
	vm3 =	vlt.s32 v18, $0x0  }
0x144: {  	v15 =	vadd.s32 $0x80, v15;
	v20 =	vxor.u32 $0x7FFFFFFF, v18;
	v17 =	vsel vm2, $0x1, v1  }
.Ltmp10:
0x145: {  	v22 =	vshra.s32 v13, $0x18;
	vm0 =	veq.s32 v15, v10;
	v14 =	vsel vm1, v14, v16;
	(xrf0) =	vadd.scan.msk.s32 $0xffff, v17;
	(pc) =	sbr.rel @p0 .LBB2_13-.Ltmp10, $4  }
0x146: {  	v15 =	vadd.s32 $0x80, v22;
	v16 =	vsel vm0, $0x1, v1;
	v22 =	vshra.s32 v14, $0x18;
	v17 =	vld [tilespmem:s0+$0x70]  }
0x147: {  	vm1 =	veq.s32 v15, v10;
	v15 =	vsel vm3, v20, v18;
	vm3 =	vlt.s32 v21, $0x0;
	(xrf0) =	vadd.scan.msk.s32 $0xffff, v16  }
0x148: {  	v20 =	vsel vm1, $0x1, v1;
	v16 =	vshra.s32 v15, $0x18;
	v18 =	vxor.u32 $0x7FFFFFFF, v21;
	[tilespmem:s20+$0xC480] =	vst.msk vm2, v19  }
0x149: {  	v19 =	vadd.s32 $0x80, v16;
	v16 =	vsel vm3, v18, v21;
	v18 =	vadd.s32 $0x80, v22;
	(xrf0) =	vadd.scan.msk.s32 $0xffff, v20  }
0x14a: {  	v20 =	vshra.s32 v16, $0x18  }
0x14b: {  	v21 =	vshra.s32 v11, $0x18;
	vm2 =	veq.s32 v19, v10;
	v52 =	vadd.s32 $0x80, v20  }
0x14c: {  	v53 =	vadd.s32 $0x80, v21;
	vm4 =	vlt.s32 v17, $0x0;
	v54 =	vxor.u32 $0x7FFFFFFF, v17  }
0x14d: {  	v55 =	vsel vm2, $0x1, v1;
	vm3 =	veq.s32 v52, v10;
	v17 =	vsel vm4, v54, v17  }
0x14e: {  	vm15 =	veq.s32 v53, v10;
	(xrf0) =	vadd.scan.msk.s32 $0xffff, v55;
	v56 =	vsel vm3, $0x1, v1;
	v57 =	vshra.s32 v17, $0x18  }
0x14f: {  	vm5 =	veq.s32 v18, v10;
	v58 =	vsel vm15, $0x1, v1;
	(xrf0) =	vadd.scan.msk.s32 $0xffff, v56;
	v19 =	vadd.s32 $0x80, v57  }
0x150: {  	v59, _, _ =	vpop (xrf0);
	v60 =	vsel vm5, $0x1, v1;
	(xrf0) =	vadd.scan.msk.s32 $0xffff, v58;
	vm6 =	veq.s32 v19, v10  }
0x151: {  	v10, _, _ =	vpop (xrf0);
	(xrf0) =	vadd.scan.msk.s32 $0xffff, v60;
	v61 =	vsel vm6, $0x1, v1  }
0x152: {  	(v2sf) =	vpush v59, $0xF;
	v62, _, _ =	vpop (xrf0);
	(xrf0) =	vadd.scan.msk.s32 $0xffff, v61  }
0x153: {  	(v2sf) =	vpush v62, $0xF  }
0x154: {  	v63, _, _ =	vpop (xrf0);
	(v2sf) =	vpush v10, $0xF  }
0x155: {  	(v2sf) =	vpush v63, $0xF;
	v10, _, _ =	vpop (xrf0)  }
0x156: {  	(v2sf) =	vpush v10, $0xF;
	v10, _, _ =	vpop (xrf0)  }
0x157: {  	(v2sf) =	vpush v10, $0xF;
	v10, _, _ =	vpop (xrf0)  }
0x158: {  	(v2sf) =	vpush v10, $0xF;
	v10, _, _ =	vpop (xrf0)  }
0x159: {  	(v2sf) =	vpush v10, $0xF;
	_ =	sdelay $0x7  }
0x15a: {  	s0 =	spop (v2sf)  }
0x15b: {  	s0 =	sadd.s32 s20, s0;
	s1 =	spop (v2sf)  }
0x15c: {  	s1 =	sadd.s32 s1, s0;
	s2 =	spop (v2sf)  }
0x15d: {  	s2 =	sadd.s32 s2, s1;
	s5 =	spop (v2sf)  }
0x15e: {  	s23 =	sadd.s32 s5, s2;
	s24 =	spop (v2sf)  }
0x15f: {  	s25 =	sadd.s32 s24, s23;
	s26 =	spop (v2sf)  }
0x160: {  	s29 =	sadd.s32 s26, s25;
	s30 =	spop (v2sf)  }
0x161: {  	s5 =	sadd.s32 s30, s29;
	s31 =	spop (v2sf)  }
0x162: {  	[tilespmem:s0+$0xC480] =	vst.msk vm1, v13;
	s0 =	sadd.s32 s31, s5  }
0x163: {  	[tilespmem:s1+$0xC480] =	vst.msk vm0, v12;
	p0 =	sgt.s32 s0, $0x10  }
.Ltmp11:
0x164: {  	[tilespmem:s2+$0xC480] =	vst.msk vm2, v15;
	(pc) =	sbr.rel @!p0 .LBB2_15-.Ltmp11, $4  }
0x165: {  	[tilespmem:s23+$0xC480] =	vst.msk vm3, v16  }
0x166: {  	[tilespmem:s25+$0xC480] =	vst.msk vm15, v11  }
0x167: {  	[tilespmem:s29+$0xC480] =	vst.msk vm5, v14  }
0x168: {  	[tilespmem:s5+$0xC480] =	vst.msk vm6, v17;
	v10 =	vmov s0  }
0x169: {  	s0 =	sadd.s32 $0xF, s0  }
0x16a: {  	s1 =	sand.u32 $0xF, s0  }
0x16b: {  	s2 =	sshra.s32 s0, $0x1F;
	p0 =	slt.s32 s0, $0x0;
	p1 =	sne.s32 s1, $0x0  }
0x16c: {  	s31 =	sshrl.u32 s2, $0x1C;
	p0 =	por !p0, !p1  }
0x16d: {  	s1 =	simm.s32 $0x1;
	s0 =	sadd.s32 s31, s0;
	p0 =	por !p0, !p0  }
0x16e: {  	s0 =	sshra.s32 s0, $0x4;
	s1 =	simm.s32 @!p0 $0x0  }
0x16f: {  	s22 =	ssub.s32 s0, s1  }
0x170: {  	p0 =	sgt.s32 s22, $0x0  }
.Ltmp12:
0x171: {  	_ = 	snop;
	(pc) =	sbr.rel @!p0 .LBB2_17-.Ltmp12, $1  }
0x172: {  	_ =	sdelay $0x3  }
0x173: {  	p1 =	seq.s32 s22, $0x1  }
.Ltmp13:
0x174: {  	_ = 	snop;
	(pc) =	sbr.rel @p1 .LBB2_22-.Ltmp13, $3  }
0x175: {  	_ =	sdelay $0x1  }
0x176: {  	s1 =	simm.s32 $0xC480  }
0x177: {  	s0 =	simm.s32 $0x0;
	p0 =	por $0x0, $0x0;
	v11 =	vld [tilespmem:s1+$0x0];
	s1 =	sadd.s32 $0xFFFFFFFF, s22  }
0x178: {  	_ =	sdelay $0x3  }
0x179: {  	v12 =	vor.u32 s0, v0;
	v11 =	vshrl.u32 v11, $0xC  }
0x17a: {  	vm0 =	vlt.s32 v12, v10;
	v11 =	vand.u32 $0xFF0, v11  }
0x17b: {  	v11 =	vor.u32 v0, v11  }
0x17c: {  	p1 =	seq.s32 s1, $0x1  }
.Ltmp14:
0x17d: {  	_ = 	snop;
	(pc) =	sbr.rel @p1 .LBB2_24-.Ltmp14, $3  }
0x17e: {  	_ =	sdelay $0x1  }
0x17f: {  	s2 =	simm.s32 $0xC490;
	[tilespmem:v11+s11+$0x0] =	vst.idx.add.s32.msk vm0, v3  }
0x180: {  	s5 =	sadd.s32 $0xFFFFFFFF, s1;
	p0 =	por $0x1, $0x1;
	s1 =	simm.s32 $0x0;
	v11 =	vld [tilespmem:s2+$0x0]  }
.LBB2_25:
0x181: {  	p1 =	seq.s32 s5, $0x1;
	_ =	sdelay $0x2  }
0x182: {  	s1 =	sadd.s32 $0x10, s1  }
0x183: {  	v12 =	vor.u32 s1, v0;
	v11 =	vshrl.u32 v11, $0xC  }
0x184: {  	vm0 =	vlt.s32 v12, v10;
	v11 =	vand.u32 $0xFF0, v11  }
0x185: {  	v11 =	vor.u32 v0, v11;
	_ =	sdelay $0x1  }
.Ltmp15:
0x186: {  	(pc) =	sbr.rel @!p1 .LBB2_25-.Ltmp15, $3  }
0x187: {  	_ =	sdelay $0x1  }
0x188: {  	s2 =	sadd.s32 $0x10, s2;
	[tilespmem:v11+s11+$0x0] =	vst.idx.add.s32.msk vm0, v3  }
0x189: {  	s5 =	sadd.s32 $0xFFFFFFFF, s5;
	v11 =	vld [tilespmem:s2+$0x0]  }
.LBB2_26:
0x18a: {  	_ =	sdelay $0x1  }
0x18b: {  	s1 =	sadd.s32 @p0 $0x10, s1  }
0x18c: {  	s0 =	smov.u32 @p0 s1  }
0x18d: {  	v12 =	vor.u32 s0, v0;
	v11 =	vshrl.u32 v11, $0xC  }
0x18e: {  	vm0 =	vlt.s32 v12, v10;
	v11 =	vand.u32 $0xFF0, v11  }
0x18f: {  	v11 =	vor.u32 v0, v11;
	_ =	sdelay $0x4  }
0x190: {  	[tilespmem:v11+s11+$0x0] =	vst.idx.add.s32.msk vm0, v3  }
.LBB2_17:
0x191: {  	s0 =	simm.s32 $0x198F0  }
0x192: {  	v11 =	vld [tilespmem:s0+$0x0];
	_ =	sdelay $0x4  }
0x193: {  	(xrf0) =	vadd.scan.msk.s32 $0xffff, v11;
	_ =	sdelay $0x5  }
0x194: {  	v11, _, _ =	vpop (xrf0)  }
0x195: {  	(v2sf) =	vpush v11, $0xF;
	_ =	sdelay $0x1  }
0x196: {  	s26 =	simm.s32 $0x198E0;
	[tilespmem:s0+$0x0] =	vst v1  }
0x197: {  	v11 =	vld [tilespmem:s26+$0x0];
	_ =	sdelay $0x2  }
0x198: {  	s5 =	simm.s32 $0x198D0;
	[tilespmem:s26+$0x0] =	vst v1  }
0x199: {  	v12 =	vld [tilespmem:s5+$0x0]  }
0x19a: {  	(xrf0) =	vadd.scan.msk.s32 $0xffff, v11;
	_ =	sdelay $0x3  }
0x19b: {  	(xrf0) =	vadd.scan.msk.s32 $0xffff, v12;
	_ =	sdelay $0x1  }
0x19c: {  	v11, _, _ =	vpop (xrf0)  }
0x19d: {  	s31 =	spop (v2sf);
	(v2sf) =	vpush v11, $0xF  }
0x19e: {  	s6 =	simm.s32 $0x198C0;
	[tilespmem:s5+$0x0] =	vst v1  }
0x19f: {  	v63 =	vld [tilespmem:s6+$0x0]  }
0x1a0: {  	v13, _, _ =	vpop (xrf0)  }
0x1a1: {  	s20 =	ssub.s32 $0x6200, s19;
	s19 =	simm.s32 $0x0;
	s1 =	simm.s32 $0xFF;
	(v2sf) =	vpush v13, $0xF  }
0x1a2: {  	s2 =	simm.s32 $0xFE;
	s30 =	simm.s32 $0xFC;
	s28 =	simm.s32 $0xFB  }
0x1a3: {  	s29 =	simm.s32 $0xFA;
	s25 =	simm.s32 $0xF8;
	s24 =	simm.s32 $0xF7  }
0x1a4: {  	s23 =	simm.s32 $0xF6;
	s15 =	simm.s32 $0xF5;
	s14 =	simm.s32 $0x0;
	(xrf0) =	vadd.scan.msk.s32 $0xffff, v63  }
0x1a5: {  	p0 =	sgt.s32 s20, $0x0;
	[tilespmem:s6+$0x0] =	vst v1;
	s6 =	simm.s32 $0x198B0;
	s5 =	sadd.s32 $0x0, s31  }
0x1a6: {  	s21 =	simm.s32 $0x0;
	p0 =	por p0, p0;
	v11 =	vld [tilespmem:s6+$0x0];
	p1 =	sge.s32 s5, s20  }
0x1a7: {  	s0 =	simm.s32 $0xFD;
	p2 =	slt.s32 s5, s20;
	p0 =	por !p0, !p1  }
0x1a8: {  	s26 =	simm.s32 $0xF9;
	[tilespmem:s6+$0x0] =	vst v1;
	p1 =	por !p0, !p0;
	p0 =	por p2, p2  }
.LBB2_18:
0x1a9: {  	p2 =	seq.s32 s15, $0x0;
	s19 =	smov.u32 @p1 s1;
	s21 =	smov.u32 @p1 s14  }
0x1aa: {  	v12, _, _ =	vpop (xrf0);
	s14 =	smov.u32 s5;
	s1 =	smov.u32 s2;
	s2 =	smov.u32 s0  }
0x1ab: {  	s0 =	smov.u32 s30;
	s30 =	smov.u32 s28;
	s28 =	smov.u32 s29;
	(xrf0) =	vadd.scan.msk.s32 $0xffff, v11;
	(v2sf) =	vpush v12, $0xF  }
.Ltmp16:
0x1ac: {  	s6 =	sadd.s32 $0xFFFFFFF0, s6;
	s9 =	spop (v2sf);
	(pc) =	sbr.rel @!p2 .LBB2_18-.Ltmp16, $4  }
0x1ad: {  	s29 =	smov.u32 s26;
	s26 =	smov.u32 s25;
	v11 =	vld [tilespmem:s6+$0x0];
	[tilespmem:s6+$0x0] =	vst v1;
	s5 =	sadd.s32 s5, s9  }
0x1ae: {  	s25 =	smov.u32 s24;
	p3 =	slt.s32 s5, s20;
	p1 =	sge.s32 s5, s20  }
0x1af: {  	s24 =	smov.u32 s23;
	s23 =	smov.u32 s15;
	p0 =	por !p0, !p1  }
0x1b0: {  	s15 =	sadd.s32 $0xFFFFFFFF, s15;
	p1 =	por !p0, !p0;
	p0 =	por p3, p3  }
0x1b1: {  	s6 =	sadd.s32 $0xFFFFFFF0, s6  }
0x1b2: {  	v12 =	vld [tilespmem:s6+$0x0];
	[tilespmem:s6+$0x0] =	vst v1;
	s6 =	sadd.s32 $0xFFFFFFF0, s6  }
0x1b3: {  	v13 =	vld [tilespmem:s6+$0x0];
	_ =	sdelay $0x2  }
0x1b4: {  	(xrf0) =	vadd.scan.msk.s32 $0xffff, v11  }
0x1b5: {  	(xrf0) =	vadd.scan.msk.s32 $0xffff, v12  }
0x1b6: {  	(xrf0) =	vadd.scan.msk.s32 $0xffff, v13  }
0x1b7: {  	v11, _, _ =	vpop (xrf0)  }
0x1b8: {  	[tilespmem:s6+$0x0] =	vst v1;
	s6 =	sadd.s32 $0xFFFFFFF0, s6;
	(v2sf) =	vpush v11, $0xF  }
0x1b9: {  	v62 =	vld [tilespmem:s6+$0x0]  }
0x1ba: {  	[tilespmem:s6+$0x0] =	vst v1;
	s6 =	sadd.s32 $0xFFFFFFF0, s6;
	v11, _, _ =	vpop (xrf0)  }
0x1bb: {  	v63 =	vld [tilespmem:s6+$0x0];
	(v2sf) =	vpush v11, $0xF;
	v11, _, _ =	vpop (xrf0)  }
0x1bc: {  	[tilespmem:s6+$0x0] =	vst v1;
	s6 =	sadd.s32 $0xFFFFFFF0, s6;
	(v2sf) =	vpush v11, $0xF;
	v11, _, _ =	vpop (xrf0)  }
0x1bd: {  	(v2sf) =	vpush v11, $0xF;
	v11 =	vld [tilespmem:s6+$0x0]  }
0x1be: {  	(xrf0) =	vadd.scan.msk.s32 $0xffff, v62;
	_ =	sdelay $0x1  }
0x1bf: {  	(xrf0) =	vadd.scan.msk.s32 $0xffff, v63  }
0x1c0: {  	s9 =	spop (v2sf)  }
0x1c1: {  	s19 =	smov.u32 @p1 s1;
	s9 =	sadd.s32 s5, s9;
	(xrf0) =	vadd.scan.msk.s32 $0xffff, v11  }
0x1c2: {  	s21 =	smov.u32 @p1 s14;
	p2 =	sge.s32 s9, s20;
	s14 =	spop (v2sf)  }
0x1c3: {  	p5 =	slt.s32 s9, s20;
	p0 =	por !p0, !p2;
	s1 =	sadd.s32 s9, s14;
	v11, _, _ =	vpop (xrf0)  }
0x1c4: {  	p1 =	por p5, p5;
	p0 =	por !p0, !p0;
	p6 =	sge.s32 s1, s20;
	(v2sf) =	vpush v11, $0xF  }
0x1c5: {  	s19 =	smov.u32 @p0 s2;
	p3 =	por !p1, !p6;
	v11, _, _ =	vpop (xrf0)  }
0x1c6: {  	s21 =	smov.u32 @p0 s5;
	p0 =	por !p3, !p3;
	s15 =	spop (v2sf);
	(v2sf) =	vpush v11, $0xF  }
0x1c7: {  	p4 =	slt.s32 s1, s20;
	s19 =	smov.u32 @p0 s0;
	s0 =	sadd.s32 s1, s15;
	v11, _, _ =	vpop (xrf0)  }
0x1c8: {  	p1 =	por p4, p4;
	p5 =	sge.s32 s0, s20;
	(v2sf) =	vpush v11, $0xF  }
0x1c9: {  	s21 =	smov.u32 @p0 s9;
	p0 =	por !p1, !p5;
	s31 =	spop (v2sf)  }
0x1ca: {  	p6 =	slt.s32 s0, s20;
	p0 =	por !p0, !p0;
	s5 =	sadd.s32 s0, s31  }
0x1cb: {  	p2 =	por p6, p6;
	s19 =	smov.u32 @p0 s30;
	p3 =	sge.s32 s5, s20  }
0x1cc: {  	s21 =	smov.u32 @p0 s1;
	p4 =	slt.s32 s5, s20;
	p0 =	por !p2, !p3  }
0x1cd: {  	p5 =	por p4, p4;
	p0 =	por !p0, !p0;
	s14 =	spop (v2sf)  }
0x1ce: {  	s19 =	smov.u32 @p0 s28;
	s15 =	spop (v2sf);
	s1 =	sadd.s32 s5, s14  }
0x1cf: {  	s21 =	smov.u32 @p0 s0;
	p6 =	sge.s32 s1, s20;
	s0 =	sadd.s32 s1, s15  }
0x1d0: {  	p2 =	slt.s32 s1, s20;
	p1 =	por !p5, !p6;
	p3 =	sge.s32 s0, s20  }
0x1d1: {  	p5 =	slt.s32 s0, s20;
	p0 =	por !p1, !p1;
	p1 =	por p2, p2  }
0x1d2: {  	s19 =	smov.u32 @p0 s29;
	s21 =	smov.u32 @p0 s5;
	p4 =	por !p1, !p3  }
0x1d3: {  	p1 =	por p5, p5;
	p0 =	por !p4, !p4;
	s29 =	spop (v2sf)  }
0x1d4: {  	s19 =	smov.u32 @p0 s26;
	s21 =	smov.u32 @p0 s1;
	s2 =	sadd.s32 s0, s29  }
0x1d5: {  	s30 =	spop (v2sf);
	p6 =	sge.s32 s2, s20;
	p3 =	slt.s32 s2, s20  }
0x1d6: {  	s1 =	sadd.s32 s2, s30;
	p1 =	por !p1, !p6;
	p0 =	por p3, p3  }
0x1d7: {  	p4 =	slt.s32 s1, s20;
	p3 =	sge.s32 s1, s20;
	s31 =	spop (v2sf)  }
0x1d8: {  	p1 =	por !p1, !p1;
	p0 =	por !p0, !p3;
	s5 =	sadd.s32 s1, s31  }
0x1d9: {  	p2 =	por p4, p4;
	s19 =	smov.u32 @p1 s25;
	p5 =	sge.s32 s5, s20  }
0x1da: {  	s21 =	smov.u32 @p1 s0;
	p0 =	por !p0, !p0;
	p6 =	por !p2, !p5  }
0x1db: {  	s19 =	smov.u32 @p0 s24;
	s21 =	smov.u32 @p0 s2;
	p0 =	por !p6, !p6  }
0x1dc: {  	s19 =	smov.u32 @p0 s23;
	s21 =	smov.u32 @p0 s1;
	p0 =	slt.s32 s22, $0x1  }
.Ltmp17:
0x1dd: {  	_ = 	snop;
	(pc) =	sbr.rel @p0 .LBB2_20-.Ltmp17, $2  }
0x1de: {  	_ =	sdelay $0x2  }
0x1df: {  	[tilespmem:s6+$0x0] =	vst v1  }
0x1e0: {  	p1 =	sne.s32 s22, $0x1  }
.Ltmp18:
0x1e1: {  	_ = 	snop;
	(pc) =	sbr.rel @!p1 .LBB2_28-.Ltmp18, $3  }
0x1e2: {  	_ =	sdelay $0x1  }
0x1e3: {  	s1 =	simm.s32 $0xC480  }
0x1e4: {  	v11 =	vmov s19;
	s0 =	simm.s32 $0x0;
	p0 =	por $0x0, $0x0;
	v12 =	vld [tilespmem:s1+$0x0];
	s1 =	sadd.s32 $0xFFFFFFFF, s22  }
0x1e5: {  	_ =	sdelay $0x3  }
0x1e6: {  	v13 =	vshrl.u32 v12, $0x10  }
0x1e7: {  	v14 =	vor.u32 s0, v0;
	v13 =	vand.u32 $0xFF, v13  }
0x1e8: {  	vm1 =	vlt.s32 v14, v10;
	vm0 =	veq.s32 v13, v11  }
0x1e9: {  	vm0 =	vmand vm1, vm0  }
0x1ea: {  	v13 =	vsel vm0, $0x1, v1  }
0x1eb: {  	(xrf0) =	vadd.scan.msk.s32 $0xffff, v13;
	_ =	sdelay $0x2  }
0x1ec: {  	p1 =	sne.s32 s1, $0x1  }
.Ltmp19:
0x1ed: {  	_ = 	snop;
	(pc) =	sbr.rel @!p1 .LBB2_30-.Ltmp19, $4  }
0x1ee: {  	_ = 	snop  }
0x1ef: {  	[tilespmem:s0+$0x0] =	vst.msk vm0, v12;
	v12, _, _ =	vpop (xrf0)  }
0x1f0: {  	s5 =	simm.s32 $0xC490;
	s6 =	sadd.s32 $0xFFFFFFFF, s1;
	(v2sf) =	vpush v12, $0xF  }
0x1f1: {  	p0 =	por $0x1, $0x1;
	s2 =	simm.s32 $0x0;
	s1 =	simm.s32 $0x0;
	v12 =	vld [tilespmem:s5+$0x0]  }
.LBB2_31:
0x1f2: {  	p1 =	sne.s32 s6, $0x1;
	_ =	sdelay $0x3  }
0x1f3: {  	s2 =	sadd.s32 $0x10, s2;
	v13 =	vshrl.u32 v12, $0x10  }
0x1f4: {  	v14 =	vor.u32 s2, v0;
	v13 =	vand.u32 $0xFF, v13  }
0x1f5: {  	vm1 =	vlt.s32 v14, v10;
	vm0 =	veq.s32 v13, v11  }
0x1f6: {  	vm0 =	vmand vm1, vm0  }
0x1f7: {  	v13 =	vsel vm0, $0x1, v1  }
0x1f8: {  	(xrf0) =	vadd.scan.msk.s32 $0xffff, v13;
	_ =	sdelay $0x3  }
.Ltmp20:
0x1f9: {  	s9 =	spop (v2sf);
	(pc) =	sbr.rel @p1 .LBB2_31-.Ltmp20, $4  }
0x1fa: {  	s1 =	sadd.s32 s1, s9  }
0x1fb: {  	[tilespmem:s1+$0x0] =	vst.msk vm0, v12;
	v12, _, _ =	vpop (xrf0)  }
0x1fc: {  	s5 =	sadd.s32 $0x10, s5;
	(v2sf) =	vpush v12, $0xF  }
0x1fd: {  	s6 =	sadd.s32 $0xFFFFFFFF, s6;
	v12 =	vld [tilespmem:s5+$0x0]  }
.LBB2_32:
0x1fe: {  	_ =	sdelay $0x2  }
0x1ff: {  	s2 =	sadd.s32 @p0 $0x10, s2;
	s5 =	simm.s32 $0x0  }
0x200: {  	s5 =	smov.u32 @p0 s2;
	v13 =	vshrl.u32 v12, $0x10  }
0x201: {  	v14 =	vor.u32 s5, v0;
	v13 =	vand.u32 $0xFF, v13  }
0x202: {  	vm1 =	vlt.s32 v14, v10;
	vm0 =	veq.s32 v13, v11  }
0x203: {  	vm0 =	vmand vm1, vm0  }
0x204: {  	v10 =	vsel vm0, $0x1, v1  }
0x205: {  	(xrf0) =	vadd.scan.msk.s32 $0xffff, v10;
	_ =	sdelay $0x5  }
0x206: {  	v10, _, _ =	vpop (xrf0)  }
0x207: {  	(v2sf) =	vpush v10, $0xF;
	_ =	sdelay $0xb  }
.Ltmp21:
0x208: {  	_ = 	snop;
	(pc) =	sbr.rel .LBB2_33-.Ltmp21, $4  }
0x209: {  	s2 =	spop @p0 (v2sf)  }
0x20a: {  	s1 =	sadd.s32 @p0 s1, s2  }
0x20b: {  	s0 =	smov.u32 @p0 s1;
	s31 =	spop (v2sf)  }
0x20c: {  	[tilespmem:s0+$0x0] =	vst.msk vm0, v12;
	s0 =	sadd.s32 s0, s31  }
.LBB2_20:
0x20d: {  	s0 =	simm.s32 $0x0  }
.LBB2_33:
0x20e: {  	s1 =	sadd.s32 $0xF, s0  }
0x20f: {  	s2 =	sand.u32 $0xF, s1  }
0x210: {  	s31 =	sshra.s32 s1, $0x1F;
	p1 =	slt.s32 s1, $0x1;
	p0 =	sne.s32 s2, $0x0  }
0x211: {  	s2 =	sshrl.u32 s31, $0x1C;
	p0 =	por !p1, !p0  }
0x212: {  	s1 =	sadd.s32 s2, s1;
	s2 =	simm.s32 $0x1;
	p0 =	por !p0, !p0  }
0x213: {  	s1 =	sshra.s32 s1, $0x4;
	s2 =	simm.s32 @!p0 $0x0  }
0x214: {  	s24 =	ssub.s32 s1, s2  }
0x215: {  	p0 =	sgt.s32 s24, $0x0  }
.Ltmp22:
0x216: {  	_ = 	snop;
	(pc) =	sbr.rel @!p0 .LBB2_34-.Ltmp22, $2  }
0x217: {  	_ =	sdelay $0x2  }
0x218: {  	v10 =	vmov s0;
	s23 =	sadd.s32 $0xFFFFFFFF, s24  }
0x219: {  	p1 =	seq.s32 s24, $0x1  }
.Ltmp23:
0x21a: {  	_ = 	snop;
	(pc) =	sbr.rel @p1 .LBB2_39-.Ltmp23, $3  }
0x21b: {  	_ =	sdelay $0x1  }
0x21c: {  	s0 =	simm.s32 $0x0  }
0x21d: {  	p0 =	por $0x0, $0x0;
	v11 =	vld [tilespmem:s0+$0x0]  }
0x21e: {  	_ =	sdelay $0x3  }
0x21f: {  	v12 =	vor.u32 s0, v0;
	v11 =	vshrl.u32 v11, $0x4  }
0x220: {  	vm0 =	vlt.s32 v12, v10;
	v11 =	vand.u32 $0xFF0, v11  }
0x221: {  	v11 =	vor.u32 v0, v11  }
0x222: {  	p1 =	seq.s32 s23, $0x1  }
.Ltmp24:
0x223: {  	_ = 	snop;
	(pc) =	sbr.rel @p1 .LBB2_41-.Ltmp24, $3  }
0x224: {  	_ =	sdelay $0x1  }
0x225: {  	s2 =	simm.s32 $0x10;
	[tilespmem:v11+s11+$0x0] =	vst.idx.add.s32.msk vm0, v3  }
0x226: {  	s5 =	sadd.s32 $0xFFFFFFFF, s23;
	p0 =	por $0x1, $0x1;
	s1 =	simm.s32 $0x0;
	v11 =	vld [tilespmem:s2+$0x0]  }
.LBB2_42:
0x227: {  	p1 =	seq.s32 s5, $0x1;
	_ =	sdelay $0x2  }
0x228: {  	s1 =	sadd.s32 $0x10, s1  }
0x229: {  	v12 =	vor.u32 s1, v0;
	v11 =	vshrl.u32 v11, $0x4  }
0x22a: {  	vm0 =	vlt.s32 v12, v10;
	v11 =	vand.u32 $0xFF0, v11  }
0x22b: {  	v11 =	vor.u32 v0, v11;
	_ =	sdelay $0x1  }
.Ltmp25:
0x22c: {  	(pc) =	sbr.rel @!p1 .LBB2_42-.Ltmp25, $3  }
0x22d: {  	_ =	sdelay $0x1  }
0x22e: {  	s2 =	sadd.s32 $0x10, s2;
	[tilespmem:v11+s11+$0x0] =	vst.idx.add.s32.msk vm0, v3  }
0x22f: {  	s5 =	sadd.s32 $0xFFFFFFFF, s5;
	v11 =	vld [tilespmem:s2+$0x0]  }
.LBB2_43:
0x230: {  	_ =	sdelay $0x1  }
0x231: {  	s1 =	sadd.s32 @p0 $0x10, s1  }
0x232: {  	s0 =	smov.u32 @p0 s1  }
0x233: {  	v12 =	vor.u32 s0, v0;
	v11 =	vshrl.u32 v11, $0x4  }
0x234: {  	vm0 =	vlt.s32 v12, v10;
	v11 =	vand.u32 $0xFF0, v11  }
0x235: {  	v11 =	vor.u32 v0, v11;
	_ =	sdelay $0x4  }
0x236: {  	[tilespmem:v11+s11+$0x0] =	vst.idx.add.s32.msk vm0, v3  }
.LBB2_34:
0x237: {  	s0 =	simm.s32 $0x198F0  }
0x238: {  	v11 =	vld [tilespmem:s0+$0x0];
	_ =	sdelay $0x4  }
0x239: {  	(xrf0) =	vadd.scan.msk.s32 $0xffff, v11;
	_ =	sdelay $0x5  }
0x23a: {  	v11, _, _ =	vpop (xrf0)  }
0x23b: {  	(v2sf) =	vpush v11, $0xF;
	_ =	sdelay $0x1  }
0x23c: {  	s25 =	simm.s32 $0x198E0;
	[tilespmem:s0+$0x0] =	vst v1  }
0x23d: {  	v11 =	vld [tilespmem:s25+$0x0];
	_ =	sdelay $0x2  }
0x23e: {  	s6 =	simm.s32 $0x198D0;
	[tilespmem:s25+$0x0] =	vst v1  }
0x23f: {  	v12 =	vld [tilespmem:s6+$0x0]  }
0x240: {  	(xrf0) =	vadd.scan.msk.s32 $0xffff, v11;
	_ =	sdelay $0x3  }
0x241: {  	(xrf0) =	vadd.scan.msk.s32 $0xffff, v12;
	_ =	sdelay $0x1  }
0x242: {  	v11, _, _ =	vpop (xrf0)  }
0x243: {  	s26 =	spop (v2sf);
	(v2sf) =	vpush v11, $0xF  }
0x244: {  	s9 =	simm.s32 $0x198C0;
	[tilespmem:s6+$0x0] =	vst v1  }
0x245: {  	v63 =	vld [tilespmem:s9+$0x0]  }
0x246: {  	v13, _, _ =	vpop (xrf0)  }
0x247: {  	s21 =	ssub.s32 s20, s21;
	s20 =	simm.s32 $0x0;
	s2 =	simm.s32 $0xFF;
	(v2sf) =	vpush v13, $0xF  }
0x248: {  	s5 =	simm.s32 $0xFE;
	s1 =	simm.s32 $0xFD;
	s30 =	simm.s32 $0xFB  }
0x249: {  	s31 =	simm.s32 $0xFA;
	s29 =	simm.s32 $0xF9;
	s28 =	simm.s32 $0xF8  }
0x24a: {  	s14 =	simm.s32 $0x198B0;
	s15 =	simm.s32 $0x0;
	s22 =	simm.s32 $0x0;
	(xrf0) =	vadd.scan.msk.s32 $0xffff, v63  }
0x24b: {  	s0 =	simm.s32 $0xFC;
	p0 =	sgt.s32 s21, $0x0;
	[tilespmem:s9+$0x0] =	vst v1;
	s6 =	sadd.s32 $0x0, s26  }
0x24c: {  	p0 =	por p0, p0;
	s25 =	simm.s32 $0xF6;
	v11 =	vld [tilespmem:s14+$0x0];
	p1 =	sge.s32 s6, s21  }
0x24d: {  	s9 =	simm.s32 $0xF5;
	p2 =	slt.s32 s6, s21;
	p0 =	por !p0, !p1  }
0x24e: {  	[tilespmem:s14+$0x0] =	vst v1;
	s26 =	simm.s32 $0xF7;
	p1 =	por !p0, !p0;
	p0 =	por p2, p2  }
.LBB2_35:
0x24f: {  	p2 =	seq.s32 s9, $0x0;
	s20 =	smov.u32 @p1 s2;
	s22 =	smov.u32 @p1 s15  }
0x250: {  	v12, _, _ =	vpop (xrf0);
	s15 =	smov.u32 s6;
	s2 =	smov.u32 s5;
	s5 =	smov.u32 s1  }
0x251: {  	s1 =	smov.u32 s0;
	s0 =	smov.u32 s30;
	s30 =	smov.u32 s31;
	(xrf0) =	vadd.scan.msk.s32 $0xffff, v11;
	(v2sf) =	vpush v12, $0xF  }
.Ltmp26:
0x252: {  	s14 =	sadd.s32 $0xFFFFFFF0, s14;
	s31 =	spop (v2sf);
	(pc) =	sbr.rel @!p2 .LBB2_35-.Ltmp26, $4  }
0x253: {  	v11 =	vld [tilespmem:s14+$0x0];
	[tilespmem:s14+$0x0] =	vst v1;
	s6 =	sadd.s32 s6, s31;
	s31 =	smov.u32 s29;
	s29 =	smov.u32 s28  }
0x254: {  	s28 =	smov.u32 s26;
	p3 =	slt.s32 s6, s21;
	p1 =	sge.s32 s6, s21  }
0x255: {  	s26 =	smov.u32 s25;
	s25 =	smov.u32 s9;
	p0 =	por !p0, !p1  }
0x256: {  	s9 =	sadd.s32 $0xFFFFFFFF, s9;
	p1 =	por !p0, !p0;
	p0 =	por p3, p3  }
0x257: {  	s9 =	sadd.s32 $0xFFFFFFF0, s14  }
0x258: {  	v12 =	vld [tilespmem:s9+$0x0];
	[tilespmem:s9+$0x0] =	vst v1;
	s9 =	sadd.s32 $0xFFFFFFF0, s9  }
0x259: {  	v13 =	vld [tilespmem:s9+$0x0];
	_ =	sdelay $0x2  }
0x25a: {  	(xrf0) =	vadd.scan.msk.s32 $0xffff, v11  }
0x25b: {  	(xrf0) =	vadd.scan.msk.s32 $0xffff, v12  }
0x25c: {  	(xrf0) =	vadd.scan.msk.s32 $0xffff, v13  }
0x25d: {  	v11, _, _ =	vpop (xrf0)  }
0x25e: {  	[tilespmem:s9+$0x0] =	vst v1;
	s9 =	sadd.s32 $0xFFFFFFF0, s9;
	(v2sf) =	vpush v11, $0xF  }
0x25f: {  	v62 =	vld [tilespmem:s9+$0x0]  }
0x260: {  	[tilespmem:s9+$0x0] =	vst v1;
	s9 =	sadd.s32 $0xFFFFFFF0, s9;
	v11, _, _ =	vpop (xrf0)  }
0x261: {  	v63 =	vld [tilespmem:s9+$0x0];
	(v2sf) =	vpush v11, $0xF;
	v11, _, _ =	vpop (xrf0)  }
0x262: {  	[tilespmem:s9+$0x0] =	vst v1;
	s14 =	sadd.s32 $0xFFFFFFF0, s9;
	(v2sf) =	vpush v11, $0xF;
	v11, _, _ =	vpop (xrf0)  }
0x263: {  	(v2sf) =	vpush v11, $0xF;
	v11 =	vld [tilespmem:s14+$0x0]  }
0x264: {  	(xrf0) =	vadd.scan.msk.s32 $0xffff, v62;
	_ =	sdelay $0x1  }
0x265: {  	(xrf0) =	vadd.scan.msk.s32 $0xffff, v63  }
0x266: {  	s9 =	spop (v2sf)  }
0x267: {  	s20 =	smov.u32 @p1 s2;
	s9 =	sadd.s32 s6, s9;
	(xrf0) =	vadd.scan.msk.s32 $0xffff, v11  }
0x268: {  	s22 =	smov.u32 @p1 s15;
	p2 =	sge.s32 s9, s21;
	s15 =	spop (v2sf)  }
0x269: {  	p5 =	slt.s32 s9, s21;
	p0 =	por !p0, !p2;
	s2 =	sadd.s32 s9, s15;
	v11, _, _ =	vpop (xrf0)  }
0x26a: {  	p1 =	por p5, p5;
	p0 =	por !p0, !p0;
	p6 =	sge.s32 s2, s21;
	(v2sf) =	vpush v11, $0xF  }
0x26b: {  	s20 =	smov.u32 @p0 s5;
	p3 =	por !p1, !p6;
	v11, _, _ =	vpop (xrf0)  }
0x26c: {  	s22 =	smov.u32 @p0 s6;
	p0 =	por !p3, !p3;
	s15 =	spop (v2sf);
	(v2sf) =	vpush v11, $0xF  }
0x26d: {  	p4 =	slt.s32 s2, s21;
	s20 =	smov.u32 @p0 s1;
	s1 =	sadd.s32 s2, s15;
	v11, _, _ =	vpop (xrf0)  }
0x26e: {  	p1 =	por p4, p4;
	p5 =	sge.s32 s1, s21;
	(v2sf) =	vpush v11, $0xF  }
0x26f: {  	s22 =	smov.u32 @p0 s9;
	p0 =	por !p1, !p5;
	s6 =	spop (v2sf)  }
0x270: {  	p6 =	slt.s32 s1, s21;
	p0 =	por !p0, !p0;
	s6 =	sadd.s32 s1, s6  }
0x271: {  	p2 =	por p6, p6;
	s20 =	smov.u32 @p0 s0;
	p3 =	sge.s32 s6, s21  }
0x272: {  	s22 =	smov.u32 @p0 s2;
	p4 =	slt.s32 s6, s21;
	p0 =	por !p2, !p3  }
0x273: {  	p5 =	por p4, p4;
	p0 =	por !p0, !p0;
	s5 =	spop (v2sf)  }
0x274: {  	s20 =	smov.u32 @p0 s30;
	s15 =	spop (v2sf);
	s0 =	sadd.s32 s6, s5  }
0x275: {  	s22 =	smov.u32 @p0 s1;
	p6 =	sge.s32 s0, s21;
	s1 =	sadd.s32 s0, s15  }
0x276: {  	p2 =	slt.s32 s0, s21;
	p1 =	por !p5, !p6;
	p3 =	sge.s32 s1, s21  }
0x277: {  	p5 =	slt.s32 s1, s21;
	p0 =	por !p1, !p1;
	p1 =	por p2, p2  }
0x278: {  	s20 =	smov.u32 @p0 s31;
	s22 =	smov.u32 @p0 s6;
	p4 =	por !p1, !p3  }
0x279: {  	p1 =	por p5, p5;
	p0 =	por !p4, !p4;
	s15 =	spop (v2sf)  }
0x27a: {  	s20 =	smov.u32 @p0 s29;
	s22 =	smov.u32 @p0 s0;
	s2 =	sadd.s32 s1, s15  }
0x27b: {  	s30 =	spop (v2sf);
	p6 =	sge.s32 s2, s21;
	p3 =	slt.s32 s2, s21  }
0x27c: {  	s0 =	sadd.s32 s2, s30;
	p1 =	por !p1, !p6;
	p0 =	por p3, p3  }
0x27d: {  	p4 =	slt.s32 s0, s21;
	p3 =	sge.s32 s0, s21;
	s31 =	spop (v2sf)  }
0x27e: {  	p1 =	por !p1, !p1;
	p0 =	por !p0, !p3;
	s5 =	sadd.s32 s0, s31  }
0x27f: {  	p2 =	por p4, p4;
	s20 =	smov.u32 @p1 s28;
	p5 =	sge.s32 s5, s21  }
0x280: {  	s22 =	smov.u32 @p1 s1;
	p0 =	por !p0, !p0;
	p6 =	por !p2, !p5  }
0x281: {  	s20 =	smov.u32 @p0 s26;
	s22 =	smov.u32 @p0 s2;
	p0 =	por !p6, !p6  }
0x282: {  	s20 =	smov.u32 @p0 s25;
	s22 =	smov.u32 @p0 s0;
	p0 =	slt.s32 s24, $0x1  }
.Ltmp27:
0x283: {  	_ = 	snop;
	(pc) =	sbr.rel @p0 .LBB2_37-.Ltmp27, $2  }
0x284: {  	_ =	sdelay $0x2  }
0x285: {  	[tilespmem:s14+$0x0] =	vst v1;
	s28 =	simm.s32 $0x6200  }
0x286: {  	p1 =	sne.s32 s24, $0x1  }
.Ltmp28:
0x287: {  	_ = 	snop;
	(pc) =	sbr.rel @!p1 .LBB2_45-.Ltmp28, $3  }
0x288: {  	_ =	sdelay $0x1  }
0x289: {  	s0 =	simm.s32 $0x0  }
0x28a: {  	v11 =	vmov s20;
	p0 =	por $0x0, $0x0;
	v12 =	vld [tilespmem:s0+$0x0]  }
0x28b: {  	_ =	sdelay $0x3  }
0x28c: {  	v13 =	vshrl.u32 v12, $0x8  }
0x28d: {  	v14 =	vor.u32 s0, v0;
	v13 =	vand.u32 $0xFF, v13  }
0x28e: {  	vm1 =	vlt.s32 v14, v10;
	vm0 =	veq.s32 v13, v11  }
0x28f: {  	vm0 =	vmand vm1, vm0  }
0x290: {  	v13 =	vsel vm0, $0x1, v1  }
0x291: {  	(xrf0) =	vadd.scan.msk.s32 $0xffff, v13;
	_ =	sdelay $0x2  }
0x292: {  	p1 =	sne.s32 s23, $0x1  }
.Ltmp29:
0x293: {  	_ = 	snop;
	(pc) =	sbr.rel @!p1 .LBB2_47-.Ltmp29, $4  }
0x294: {  	_ = 	snop  }
0x295: {  	[tilespmem:s0+$0xC480] =	vst.msk vm0, v12;
	v12, _, _ =	vpop (xrf0)  }
0x296: {  	s5 =	simm.s32 $0x10;
	s6 =	sadd.s32 $0xFFFFFFFF, s23;
	(v2sf) =	vpush v12, $0xF  }
0x297: {  	p0 =	por $0x1, $0x1;
	s2 =	simm.s32 $0x0;
	s1 =	simm.s32 $0x0;
	v12 =	vld [tilespmem:s5+$0x0]  }
.LBB2_48:
0x298: {  	p1 =	sne.s32 s6, $0x1;
	_ =	sdelay $0x3  }
0x299: {  	s2 =	sadd.s32 $0x10, s2;
	v13 =	vshrl.u32 v12, $0x8  }
0x29a: {  	v14 =	vor.u32 s2, v0;
	v13 =	vand.u32 $0xFF, v13  }
0x29b: {  	vm1 =	vlt.s32 v14, v10;
	vm0 =	veq.s32 v13, v11  }
0x29c: {  	vm0 =	vmand vm1, vm0  }
0x29d: {  	v13 =	vsel vm0, $0x1, v1  }
0x29e: {  	(xrf0) =	vadd.scan.msk.s32 $0xffff, v13;
	_ =	sdelay $0x3  }
.Ltmp30:
0x29f: {  	s9 =	spop (v2sf);
	(pc) =	sbr.rel @p1 .LBB2_48-.Ltmp30, $4  }
0x2a0: {  	s1 =	sadd.s32 s1, s9  }
0x2a1: {  	[tilespmem:s1+$0xC480] =	vst.msk vm0, v12;
	v12, _, _ =	vpop (xrf0)  }
0x2a2: {  	s5 =	sadd.s32 $0x10, s5;
	(v2sf) =	vpush v12, $0xF  }
0x2a3: {  	s6 =	sadd.s32 $0xFFFFFFFF, s6;
	v12 =	vld [tilespmem:s5+$0x0]  }
.LBB2_49:
0x2a4: {  	_ =	sdelay $0x2  }
0x2a5: {  	s2 =	sadd.s32 @p0 $0x10, s2;
	s5 =	simm.s32 $0x0  }
0x2a6: {  	s5 =	smov.u32 @p0 s2;
	v13 =	vshrl.u32 v12, $0x8  }
0x2a7: {  	v14 =	vor.u32 s5, v0;
	v13 =	vand.u32 $0xFF, v13  }
0x2a8: {  	vm1 =	vlt.s32 v14, v10;
	vm0 =	veq.s32 v13, v11  }
0x2a9: {  	vm0 =	vmand vm1, vm0  }
0x2aa: {  	v10 =	vsel vm0, $0x1, v1  }
0x2ab: {  	(xrf0) =	vadd.scan.msk.s32 $0xffff, v10;
	_ =	sdelay $0x5  }
0x2ac: {  	v10, _, _ =	vpop (xrf0)  }
0x2ad: {  	(v2sf) =	vpush v10, $0xF;
	_ =	sdelay $0xb  }
.Ltmp31:
0x2ae: {  	_ = 	snop;
	(pc) =	sbr.rel .LBB2_50-.Ltmp31, $4  }
0x2af: {  	s2 =	spop @p0 (v2sf)  }
0x2b0: {  	s1 =	sadd.s32 @p0 s1, s2  }
0x2b1: {  	s0 =	smov.u32 @p0 s1;
	s31 =	spop (v2sf)  }
0x2b2: {  	[tilespmem:s0+$0xC480] =	vst.msk vm0, v12;
	s0 =	sadd.s32 s0, s31  }
.LBB2_37:
0x2b3: {  	s0 =	simm.s32 $0x0  }
.LBB2_50:
0x2b4: {  	s1 =	sadd.s32 $0xF, s0  }
0x2b5: {  	s2 =	sand.u32 $0xF, s1  }
0x2b6: {  	s5 =	sshra.s32 s1, $0x1F;
	p0 =	slt.s32 s1, $0x1;
	p1 =	sne.s32 s2, $0x0  }
0x2b7: {  	s31 =	sshrl.u32 s5, $0x1C;
	p0 =	por !p0, !p1  }
0x2b8: {  	s2 =	simm.s32 $0x1;
	s1 =	sadd.s32 s31, s1;
	p0 =	por !p0, !p0  }
0x2b9: {  	s1 =	sshra.s32 s1, $0x4;
	s2 =	simm.s32 @!p0 $0x0  }
0x2ba: {  	s1 =	ssub.s32 s1, s2  }
0x2bb: {  	p0 =	slt.s32 s1, $0x1  }
.Ltmp32:
0x2bc: {  	_ = 	snop;
	(pc) =	sbr.rel @p0 .LBB2_57-.Ltmp32, $1  }
0x2bd: {  	_ =	sdelay $0x3  }
0x2be: {  	p1 =	sne.s32 s1, $0x1  }
.Ltmp33:
0x2bf: {  	_ = 	snop;
	(pc) =	sbr.rel @!p1 .LBB2_52-.Ltmp33, $3  }
0x2c0: {  	_ =	sdelay $0x1  }
0x2c1: {  	s2 =	simm.s32 $0xC480  }
0x2c2: {  	v10 =	vmov s0;
	s0 =	simm.s32 $0x0;
	s1 =	sadd.s32 $0xFFFFFFFF, s1;
	p0 =	por $0x0, $0x0;
	v11 =	vld [tilespmem:s2+$0x0]  }
0x2c3: {  	_ =	sdelay $0x3  }
0x2c4: {  	v12 =	vor.u32 s0, v0;
	v11 =	vshll.u32 v11, $0x4  }
0x2c5: {  	vm0 =	vlt.s32 v12, v10;
	v11 =	vor.u32 v0, v11  }
0x2c6: {  	v11 =	vand.u32 $0xFFF, v11  }
0x2c7: {  	p1 =	sne.s32 s1, $0x1  }
.Ltmp34:
0x2c8: {  	_ = 	snop;
	(pc) =	sbr.rel @!p1 .LBB2_54-.Ltmp34, $3  }
0x2c9: {  	_ =	sdelay $0x1  }
0x2ca: {  	s2 =	simm.s32 $0xC490;
	[tilespmem:v11+s11+$0x0] =	vst.idx.add.s32.msk vm0, v3  }
0x2cb: {  	s5 =	sadd.s32 $0xFFFFFFFF, s1;
	p0 =	por $0x1, $0x1;
	s1 =	simm.s32 $0x0;
	v11 =	vld [tilespmem:s2+$0x0]  }
.LBB2_55:
0x2cc: {  	p1 =	sne.s32 s5, $0x1;
	_ =	sdelay $0x2  }
0x2cd: {  	s1 =	sadd.s32 $0x10, s1  }
0x2ce: {  	v12 =	vor.u32 s1, v0;
	v11 =	vshll.u32 v11, $0x4  }
0x2cf: {  	vm0 =	vlt.s32 v12, v10;
	v11 =	vor.u32 v0, v11  }
0x2d0: {  	v11 =	vand.u32 $0xFFF, v11;
	_ =	sdelay $0x1  }
.Ltmp35:
0x2d1: {  	(pc) =	sbr.rel @p1 .LBB2_55-.Ltmp35, $3  }
0x2d2: {  	_ =	sdelay $0x1  }
0x2d3: {  	s2 =	sadd.s32 $0x10, s2;
	[tilespmem:v11+s11+$0x0] =	vst.idx.add.s32.msk vm0, v3  }
0x2d4: {  	s5 =	sadd.s32 $0xFFFFFFFF, s5;
	v11 =	vld [tilespmem:s2+$0x0]  }
.LBB2_56:
0x2d5: {  	_ =	sdelay $0x1  }
0x2d6: {  	s1 =	sadd.s32 @p0 $0x10, s1  }
0x2d7: {  	s0 =	smov.u32 @p0 s1  }
0x2d8: {  	v12 =	vor.u32 s0, v0;
	v11 =	vshll.u32 v11, $0x4  }
0x2d9: {  	vm0 =	vlt.s32 v12, v10;
	v11 =	vor.u32 v0, v11  }
0x2da: {  	v10 =	vand.u32 $0xFFF, v11;
	_ =	sdelay $0x4  }
0x2db: {  	[tilespmem:v10+s11+$0x0] =	vst.idx.add.s32.msk vm0, v3  }
.LBB2_57:
0x2dc: {  	s0 =	simm.s32 $0x198F0  }
0x2dd: {  	v10 =	vld [tilespmem:s0+$0x0];
	_ =	sdelay $0x4  }
0x2de: {  	(xrf0) =	vadd.scan.msk.s32 $0xffff, v10;
	_ =	sdelay $0x5  }
0x2df: {  	v10, _, _ =	vpop (xrf0)  }
0x2e0: {  	(v2sf) =	vpush v10, $0xF;
	_ =	sdelay $0x1  }
0x2e1: {  	s30 =	simm.s32 $0x198E0;
	[tilespmem:s0+$0x0] =	vst v1  }
0x2e2: {  	v10 =	vld [tilespmem:s30+$0x0];
	_ =	sdelay $0x1  }
0x2e3: {  	s31 =	simm.s32 $0x198D0;
	[tilespmem:s30+$0x0] =	vst v1  }
0x2e4: {  	v11 =	vld [tilespmem:s31+$0x0];
	_ =	sdelay $0x1  }
0x2e5: {  	(xrf0) =	vadd.scan.msk.s32 $0xffff, v10;
	_ =	sdelay $0x2  }
0x2e6: {  	(xrf0) =	vadd.scan.msk.s32 $0xffff, v11;
	_ =	sdelay $0x2  }
0x2e7: {  	v11, _, _ =	vpop (xrf0)  }
0x2e8: {  	s2 =	spop (v2sf);
	(v2sf) =	vpush v11, $0xF;
	_ =	sdelay $0x1  }
0x2e9: {  	v11, _, _ =	vpop (xrf0)  }
0x2ea: {  	s14 =	simm.s32 $0x198C0;
	[tilespmem:s31+$0x0] =	vst v1;
	(v2sf) =	vpush v11, $0xF  }
0x2eb: {  	v10 =	vld [tilespmem:s14+$0x0];
	_ =	sdelay $0x1  }
0x2ec: {  	s1 =	ssub.s32 s21, s22;
	s22 =	simm.s32 $0xFF;
	s6 =	simm.s32 $0xFE  }
0x2ed: {  	s5 =	simm.s32 $0xFD;
	s21 =	simm.s32 $0x0;
	s15 =	sadd.s32 $0x0, s2  }
0x2ee: {  	s9 =	simm.s32 $0xFB;
	s0 =	simm.s32 $0x0;
	p0 =	sge.s32 s15, s1  }
0x2ef: {  	p1 =	sgt.s32 s1, $0x0;
	[tilespmem:s14+$0x0] =	vst v1;
	(xrf0) =	vadd.scan.msk.s32 $0xffff, v10;
	s2 =	simm.s32 $0xFC;
	s21 =	smov.u32 @p0 s22  }
.LBB2_58:
0x2f0: {  	p0 =	sne.s32 s9, $0x0;
	s14 =	sadd.s32 $0xFFFFFFF0, s14;
	s0 =	smov.u32 @p1 s21  }
0x2f1: {  	s22 =	smov.u32 s5;
	s5 =	smov.u32 s2;
	s2 =	smov.u32 s9  }
0x2f2: {  	s9 =	sadd.s32 $0xFFFFFFFF, s9;
	s21 =	smov.u32 s15;
	v10 =	vld [tilespmem:s14+$0x0]  }
0x2f3: {  	[tilespmem:s14+$0x0] =	vst v1  }
.Ltmp36:
0x2f4: {  	(pc) =	sbr.rel @p0 .LBB2_58-.Ltmp36, $4  }
0x2f5: {  	v11, _, _ =	vpop (xrf0);
	s23 =	spop (v2sf)  }
0x2f6: {  	(v2sf) =	vpush v11, $0xF;
	s15 =	sadd.s32 s15, s23  }
0x2f7: {  	p1 =	slt.s32 s21, s1;
	s21 =	smov.u32 s0;
	(xrf0) =	vadd.scan.msk.s32 $0xffff, v10;
	p2 =	sge.s32 s15, s1  }
0x2f8: {  	s21 =	smov.u32 @p2 s6;
	s6 =	smov.u32 s22  }
0x2f9: {  	_ =	sdelay $0x3  }
0x2fa: {  	v10, _, _ =	vpop (xrf0)  }
0x2fb: {  	(v2sf) =	vpush v10, $0xF;
	_ =	sdelay $0x8  }
0x2fc: {  	s9 =	spop (v2sf)  }
0x2fd: {  	s0 =	smov.u32 @p1 s21;
	s9 =	sadd.s32 s15, s9  }
0x2fe: {  	s14 =	smov.u32 s0;
	p0 =	sge.s32 s9, s1  }
0x2ff: {  	p1 =	slt.s32 s15, s1;
	s14 =	smov.u32 @p0 s6;
	s22 =	spop (v2sf)  }
0x300: {  	s0 =	smov.u32 @p1 s14;
	s6 =	sadd.s32 s9, s22  }
0x301: {  	s25 =	sshll.u32 s18, $0x18;
	s14 =	smov.u32 s0;
	p0 =	sge.s32 s6, s1  }
0x302: {  	p1 =	slt.s32 s9, s1;
	s14 =	smov.u32 @p0 s5;
	s23 =	spop (v2sf)  }
0x303: {  	s26 =	sshll.u32 s19, $0x10;
	s0 =	smov.u32 @p1 s14;
	s24 =	sadd.s32 s6, s23  }
0x304: {  	p1 =	slt.s32 s6, s1;
	p0 =	sge.s32 s24, s1;
	s1 =	smov.u32 s0  }
0x305: {  	s30 =	sshll.u32 s20, $0x8;
	s29 =	sor.u32 s25, s26;
	v10 =	vmov s17;
	s1 =	smov.u32 @p0 s2  }
.Ltmp37:
0x306: {  	s31 =	sor.u32 s29, s30;
	s0 =	smov.u32 @p1 s1;
	(pc) =	sbr.rel .LBB2_60-.Ltmp37, $4  }
0x307: {  	s0 =	sor.u32 s31, s0  }
0x308: {  	s0 =	sxor.u32 $0x80000000, s0  }
0x309: {  	v11 =	vmov s0  }
0x30a: {  	[tilespmem:v10+s13+$0x0] =	vst.idx.msk $0x1, v11  }
.LBB2_22:
.Ltmp38:
0x30b: {  	(pc) =	sbr.rel .LBB2_26-.Ltmp38, $2  }
0x30c: {  	_ =	sdelay $0x2  }
0x30d: {  	s1 =	simm.s32 $0x0  }
.LBB2_28:
.Ltmp39:
0x30e: {  	(pc) =	sbr.rel .LBB2_32-.Ltmp39, $2  }
0x30f: {  	_ =	sdelay $0x2  }
0x310: {  	s2 =	simm.s32 $0x0;
	s1 =	simm.s32 $0x0  }
.LBB2_39:
.Ltmp40:
0x311: {  	(pc) =	sbr.rel .LBB2_43-.Ltmp40, $2  }
0x312: {  	_ =	sdelay $0x2  }
0x313: {  	s1 =	simm.s32 $0x0  }
.LBB2_45:
.Ltmp41:
0x314: {  	(pc) =	sbr.rel .LBB2_49-.Ltmp41, $2  }
0x315: {  	_ =	sdelay $0x2  }
0x316: {  	s2 =	simm.s32 $0x0;
	s1 =	simm.s32 $0x0  }
.LBB2_52:
.Ltmp42:
0x317: {  	(pc) =	sbr.rel .LBB2_56-.Ltmp42, $2  }
0x318: {  	_ =	sdelay $0x2  }
0x319: {  	s1 =	simm.s32 $0x0  }
.LBB2_24:
.Ltmp43:
0x31a: {  	(pc) =	sbr.rel .LBB2_26-.Ltmp43, $2  }
0x31b: {  	_ =	sdelay $0x2  }
0x31c: {  	s1 =	simm.s32 $0x0  }
.LBB2_30:
.Ltmp44:
0x31d: {  	(pc) =	sbr.rel .LBB2_32-.Ltmp44, $2  }
0x31e: {  	_ =	sdelay $0x2  }
0x31f: {  	s2 =	simm.s32 $0x0;
	s1 =	simm.s32 $0x0  }
.LBB2_41:
.Ltmp45:
0x320: {  	(pc) =	sbr.rel .LBB2_43-.Ltmp45, $2  }
0x321: {  	_ =	sdelay $0x2  }
0x322: {  	s1 =	simm.s32 $0x0  }
.LBB2_47:
.Ltmp46:
0x323: {  	(pc) =	sbr.rel .LBB2_49-.Ltmp46, $2  }
0x324: {  	_ =	sdelay $0x2  }
0x325: {  	s2 =	simm.s32 $0x0;
	s1 =	simm.s32 $0x0  }
.LBB2_54:
.Ltmp47:
0x326: {  	(pc) =	sbr.rel .LBB2_56-.Ltmp47, $2  }
0x327: {  	_ =	sdelay $0x2  }
0x328: {  	s1 =	simm.s32 $0x0  }
.LBB2_62:
0x329: {  	_ =	sfence.sel $0x180000  }
0x32a: {  	[bflag:$0x0] =	sbarrier.arrive $0xFFFF  }
0x32b: {  	_ =	strace $0x90000047  }
0x32c: {  	s0 =	stileid.u32;
	[bflag:$0x2] =	sbarrier.arrive $0xFFFF  }
0x32d: {  	p0 =	sne.s32 s0, $0x0;
	s0 =	rddreg [dreg:$0x2]  }
0x32e: {  	s0 =	sadd.s32 @!p0 $0x100000, s0  }
0x32f: {  	[sflag:s0] =	ssyncadd.tile.s32 @!p0 $0x1;
	_ =	shalt  }
.Lfunc_end2:
_tile_overlayer_lowered:
.L_overlay_start_2:
0x330: {  	(tag) =	ssettag $0x2  }
0x331: {  	s0 =	rddreg [dreg:$0x0];
	s2 =	stileid.u32  }
0x332: {  	s1 =	rddreg [dreg:$0x1];
	p0 =	sne.s32 s2, $0x0  }
0x333: {  	s3 =	rddreg [dreg:$0x2];
	[bflag:$0x3] =	sbarrier.arrive $0xFFFF;
	s2 =	simm.s32 @!p0 $0x1C03  }
0x334: {  	[timem:s3], [sflag:s2] =	dma.local @!p0 [hbm:s0], s1  }
0x335: {  	s0 =	simm.s32 @!p0 $0x3  }
0x336: {  	_ =	swait.ge @!p0 [sflag:s0], s1  }
0x337: {  	s1 =	ssub.s32 @!p0 $0x0, s1;
	[sflag:s0] =	ssyncset.done @!p0 $0x0  }
0x338: {  	[sflag:s0] =	ssyncadd.s32 @!p0 s1  }
0x339: {  	[bflag:$0x3] =	sbarrier.arrive $0xFFFF  }
0x33a: {  	_ =	shalt  }

</sc_bundles>
